<compile_context>
chip_gen: v7x
topology: tpu7x:2x2x1
jax: 0.10.2.dev20260603
libtpu: 0.0.44.dev20260713+nightly
codegen_flags: <defaults>
</compile_context>

<pallas_src>
import functools

import jax
import jax.numpy as jnp
from jax import lax
from jax.experimental import pallas as pl
from jax.experimental.pallas import tpu as pltpu
from jax.experimental.pallas import tpu_sc as plsc

_LANES = 16


@functools.cache
def _build_gather(B: int, C: int, L: int):
    F = C * L
    info = plsc.get_sparse_core_info()
    num_workers = info.num_cores * info.num_subcores
    rows_per_w = B // num_workers
    assert rows_per_w * num_workers == B and rows_per_w % 4 == 0
    assert L == 128 and F % 32 == 0

    mesh = plsc.VectorSubcoreMesh(core_axis_name="c", subcore_axis_name="s")

    @functools.partial(
        pl.kernel,
        mesh=mesh,
        compiler_params=pltpu.CompilerParams(needs_layout_passes=False),
        out_type=jax.ShapeDtypeStruct((B * F,), jnp.float32),
        scratch_types=[
            pltpu.VMEM((F // 2,), jnp.int32),
            [pltpu.VMEM((C, L), jnp.float32) for _ in range(4)],
            [pltpu.VMEM((F,), jnp.float32) for _ in range(4)],
            pltpu.SemaphoreType.DMA((4,)),
            pltpu.SemaphoreType.DMA((4,)),
        ],
    )
    def gather_kernel(m_hbm, perm_hbm, out_hbm, perm_v, in_bufs, out_bufs,
                      sem_in, sem_out):
        wid = lax.axis_index("s") * info.num_cores + lax.axis_index("c")
        base = wid * rows_per_w
        pltpu.sync_copy(perm_hbm, perm_v)

        def in_copy(k, b):
            return pltpu.make_async_copy(
                m_hbm.at[:, b, :], in_bufs[k], sem_in.at[k])

        def out_copy(k, b):
            return pltpu.make_async_copy(
                out_bufs[k], out_hbm.at[pl.ds(b * F, F)], sem_out.at[k])

        for k in range(4):
            in_copy(k, base + k).start()

        def body(i, carry):
            for ph in range(2):
                sA, sB = 2 * ph, 2 * ph + 1
                r0 = 4 * i + 2 * ph
                in_copy(sA, base + r0).wait()
                in_copy(sB, base + r0 + 1).wait()

                @pl.when(i >= 1)
                def _():
                    out_copy(sA, base + r0 - 4).wait()
                    out_copy(sB, base + r0 - 3).wait()

                @plsc.parallel_loop(0, F // 2, step=_LANES, unroll=16)
                def _(t):
                    w = perm_v[pl.ds(t, _LANES)]
                    ab = plsc.bitcast(w, jnp.int16)
                    ia, ib = plsc.unpack(
                        ab, format=plsc.PackFormat.INTERLEAVED,
                        preferred_element_type=jnp.int32)
                    o = 2 * t
                    for h, idx in ((0, ia), (1, ib)):
                        q = lax.shift_right_logical(idx, 7)
                        rr = lax.bitwise_and(idx, 127)
                        for k in (sA, sB):
                            vals = plsc.load_gather(in_bufs[k], [q, rr])
                            out_bufs[k][pl.ds(o + h * _LANES, _LANES)] = vals

                @pl.when(r0 + 4 < rows_per_w)
                def _():
                    in_copy(sA, base + r0 + 4).start()
                    in_copy(sB, base + r0 + 5).start()

                out_copy(sA, base + r0).start()
                out_copy(sB, base + r0 + 1).start()
            return carry

        lax.fori_loop(0, rows_per_w // 4, body, 0)
        for k in range(4):
            out_copy(k, base + rows_per_w - 4 + k).wait()

    return gather_kernel


def kernel(M, permutator):
    B, C, L = M.shape
    F = C * L
    Mt = jnp.transpose(M, (1, 0, 2))
    perm = permutator.astype(jnp.int32)
    pe = perm.reshape(F // 32, 2, _LANES)
    packed = jnp.bitwise_or(pe[:, 0, :],
                            jnp.left_shift(pe[:, 1, :], 16)).reshape(F // 2)
    out = _build_gather(B, C, L)(Mt, packed)
    return out.reshape(B, F, 1)

# --- scband reference (transcript-rebuilt; emitter-appended) ---
"""Pipeline reference for scband-r-odtconstruction-10282151707545 (READ-ONLY COPY).

The authoritative reference and input builder live on the scoring server;
editing this copy changes nothing except your own understanding.
"""

import jax, jax.numpy as jnp
import numpy as np

N_COND = 100
N_COL = 128
BATCH = 4096

def setup_inputs(seed: int = 0) -> dict:
    key = jax.random.key(seed)
    k_m, k_p = jax.random.split(key)
    M = jax.random.normal(k_m, (BATCH, N_COND, N_COL), dtype=jnp.float32)
    permutator = jax.random.permutation(k_p, N_COND * N_COL)
    return {"M": M, "permutator": permutator}

def reference(M, permutator):
    B = M.shape[0]
    flat = M.reshape(B, -1, 1)
    return flat[:, permutator, :]

if __name__ == "__main__":
    import jax
    _d = setup_inputs()
    print(jax.jit(kernel)(*tuple(_d.values())))

</pallas_src>

<mosaic_0001>
#map = affine_map<(d0, d1) -> (0, 0, 0)>
#map1 = affine_map<(d0, d1) -> (0)>
module attributes {stable_mosaic.version = 14 : i64} {
  func.func @gather_kernel(%arg0: i32, %arg1: i32, %arg2: memref<100x4096x128xf32, #tpu.memory_space<hbm>>, %arg3: memref<6400xi32, #tpu.memory_space<hbm>>, %arg4: memref<52428800xf32, #tpu.memory_space<hbm>>, %arg5: memref<6400xi32, #tpu.memory_space<vmem>>, %arg6: memref<100x128xf32, #tpu.memory_space<vmem>>, %arg7: memref<100x128xf32, #tpu.memory_space<vmem>>, %arg8: memref<100x128xf32, #tpu.memory_space<vmem>>, %arg9: memref<100x128xf32, #tpu.memory_space<vmem>>, %arg10: memref<12800xf32, #tpu.memory_space<vmem>>, %arg11: memref<12800xf32, #tpu.memory_space<vmem>>, %arg12: memref<12800xf32, #tpu.memory_space<vmem>>, %arg13: memref<12800xf32, #tpu.memory_space<vmem>>, %arg14: memref<4x!tpu.dma_semaphore, #tpu.memory_space<semaphore_mem>>, %arg15: memref<4x!tpu.dma_semaphore, #tpu.memory_space<semaphore_mem>>) attributes {dimension_semantics = [#tpu.dimension_semantics<core_parallel>, #tpu.dimension_semantics<subcore_parallel>], iteration_bounds = array<i64: 2, 16>, scalar_prefetch = 0 : i64, scratch_operands = 11 : i64, tpu.core_type = #tpu.core_type<sc_vector_subcore>, window_params = [{transform_indices = #map}, {transform_indices = #map1}, {transform_indices = #map1}]} {
    %mul3A = arith.constant 2 : i32
    %mul3A_0 = arith.muli %arg1, %mul3A : i32
    %add3A = arith.addi %mul3A_0, %arg0 : i32
    %mul3A_1 = arith.constant 128 : i32
    %mul3A_2 = arith.muli %add3A, %mul3A_1 : i32
    "tpu.region"() ({
      %run_scoped3A = tpu.sem_alloc : memref<!tpu.dma_semaphore, #tpu.memory_space<semaphore_mem>>
      tpu.enqueue_dma source(%arg3 : memref<6400xi32, #tpu.memory_space<hbm>>) target(%arg5 : memref<6400xi32, #tpu.memory_space<vmem>>) target_semaphore(%run_scoped3A : memref<!tpu.dma_semaphore, #tpu.memory_space<semaphore_mem>>)
      tpu.wait_dma2 semaphore(%run_scoped3A : memref<!tpu.dma_semaphore, #tpu.memory_space<semaphore_mem>>) src(%arg3 : memref<6400xi32, #tpu.memory_space<hbm>>) dst(%arg5 : memref<6400xi32, #tpu.memory_space<vmem>>)
      tpu.yield
    }) : () -> ()
    %add3A_3 = arith.constant 0 : i32
    %add3A_4 = arith.addi %mul3A_2, %add3A_3 : i32
    %dma_start3A = arith.constant 0 : i32
    %dma_start3A_5 = arith.constant 0 : i32
    %dma_start3A_6 = arith.constant 0 : i32
    %dma_start3A_7 = tpu.memref_slice %arg2[%dma_start3A_5, %add3A_4, %dma_start3A_6] : memref<100x4096x128xf32, #tpu.memory_space<hbm>> -> memref<100x1x128xf32, #tpu.memory_space<hbm>>
    %dma_start3A_8 = tpu.memref_squeeze %dma_start3A_7 : memref<100x1x128xf32, #tpu.memory_space<hbm>> -> memref<100x128xf32, #tpu.memory_space<hbm>>
    %dma_start3A_9 = tpu.memref_slice %arg14[%dma_start3A] : memref<4x!tpu.dma_semaphore, #tpu.memory_space<semaphore_mem>> -> memref<1x!tpu.dma_semaphore, #tpu.memory_space<semaphore_mem>>
    %dma_start3A_10 = tpu.memref_squeeze %dma_start3A_9 : memref<1x!tpu.dma_semaphore, #tpu.memory_space<semaphore_mem>> -> memref<!tpu.dma_semaphore, #tpu.memory_space<semaphore_mem>>
    %dma_start3A_11 = arith.constant 0 : i32
    %dma_start3A_12 = arith.constant 0 : i32
    %dma_start3A_13 = tpu.memref_slice %arg2[%dma_start3A_11, %add3A_4, %dma_start3A_12] : memref<100x4096x128xf32, #tpu.memory_space<hbm>> -> memref<100x1x128xf32, #tpu.memory_space<hbm>>
    %dma_start3A_14 = tpu.memref_squeeze %dma_start3A_13 : memref<100x1x128xf32, #tpu.memory_space<hbm>> -> memref<100x128xf32, #tpu.memory_space<hbm>>
    tpu.enqueue_dma source(%dma_start3A_14 : memref<100x128xf32, #tpu.memory_space<hbm>>) target(%arg6 : memref<100x128xf32, #tpu.memory_space<vmem>>) target_semaphore(%dma_start3A_10 : memref<!tpu.dma_semaphore, #tpu.memory_space<semaphore_mem>>)
    %add3A_15 = arith.constant 1 : i32
    %add3A_16 = arith.addi %mul3A_2, %add3A_15 : i32
    %dma_start3A_17 = arith.constant 1 : i32
    %dma_start3A_18 = arith.constant 0 : i32
    %dma_start3A_19 = arith.constant 0 : i32
    %dma_start3A_20 = tpu.memref_slice %arg2[%dma_start3A_18, %add3A_16, %dma_start3A_19] : memref<100x4096x128xf32, #tpu.memory_space<hbm>> -> memref<100x1x128xf32, #tpu.memory_space<hbm>>
    %dma_start3A_21 = tpu.memref_squeeze %dma_start3A_20 : memref<100x1x128xf32, #tpu.memory_space<hbm>> -> memref<100x128xf32, #tpu.memory_space<hbm>>
    %dma_start3A_22 = tpu.memref_slice %arg14[%dma_start3A_17] : memref<4x!tpu.dma_semaphore, #tpu.memory_space<semaphore_mem>> -> memref<1x!tpu.dma_semaphore, #tpu.memory_space<semaphore_mem>>
    %dma_start3A_23 = tpu.memref_squeeze %dma_start3A_22 : memref<1x!tpu.dma_semaphore, #tpu.memory_space<semaphore_mem>> -> memref<!tpu.dma_semaphore, #tpu.memory_space<semaphore_mem>>
    %dma_start3A_24 = arith.constant 0 : i32
    %dma_start3A_25 = arith.constant 0 : i32
    %dma_start3A_26 = tpu.memref_slice %arg2[%dma_start3A_24, %add3A_16, %dma_start3A_25] : memref<100x4096x128xf32, #tpu.memory_space<hbm>> -> memref<100x1x128xf32, #tpu.memory_space<hbm>>
    %dma_start3A_27 = tpu.memref_squeeze %dma_start3A_26 : memref<100x1x128xf32, #tpu.memory_space<hbm>> -> memref<100x128xf32, #tpu.memory_space<hbm>>
    tpu.enqueue_dma source(%dma_start3A_27 : memref<100x128xf32, #tpu.memory_space<hbm>>) target(%arg7 : memref<100x128xf32, #tpu.memory_space<vmem>>) target_semaphore(%dma_start3A_23 : memref<!tpu.dma_semaphore, #tpu.memory_space<semaphore_mem>>)
    %add3A_28 = arith.constant 2 : i32
    %add3A_29 = arith.addi %mul3A_2, %add3A_28 : i32
    %dma_start3A_30 = arith.constant 2 : i32
    %dma_start3A_31 = arith.constant 0 : i32
    %dma_start3A_32 = arith.constant 0 : i32
    %dma_start3A_33 = tpu.memref_slice %arg2[%dma_start3A_31, %add3A_29, %dma_start3A_32] : memref<100x4096x128xf32, #tpu.memory_space<hbm>> -> memref<100x1x128xf32, #tpu.memory_space<hbm>>
    %dma_start3A_34 = tpu.memref_squeeze %dma_start3A_33 : memref<100x1x128xf32, #tpu.memory_space<hbm>> -> memref<100x128xf32, #tpu.memory_space<hbm>>
    %dma_start3A_35 = tpu.memref_slice %arg14[%dma_start3A_30] : memref<4x!tpu.dma_semaphore, #tpu.memory_space<semaphore_mem>> -> memref<1x!tpu.dma_semaphore, #tpu.memory_space<semaphore_mem>>
    %dma_start3A_36 = tpu.memref_squeeze %dma_start3A_35 : memref<1x!tpu.dma_semaphore, #tpu.memory_space<semaphore_mem>> -> memref<!tpu.dma_semaphore, #tpu.memory_space<semaphore_mem>>
    %dma_start3A_37 = arith.constant 0 : i32
    %dma_start3A_38 = arith.constant 0 : i32
    %dma_start3A_39 = tpu.memref_slice %arg2[%dma_start3A_37, %add3A_29, %dma_start3A_38] : memref<100x4096x128xf32, #tpu.memory_space<hbm>> -> memref<100x1x128xf32, #tpu.memory_space<hbm>>
    %dma_start3A_40 = tpu.memref_squeeze %dma_start3A_39 : memref<100x1x128xf32, #tpu.memory_space<hbm>> -> memref<100x128xf32, #tpu.memory_space<hbm>>
    tpu.enqueue_dma source(%dma_start3A_40 : memref<100x128xf32, #tpu.memory_space<hbm>>) target(%arg8 : memref<100x128xf32, #tpu.memory_space<vmem>>) target_semaphore(%dma_start3A_36 : memref<!tpu.dma_semaphore, #tpu.memory_space<semaphore_mem>>)
    %add3A_41 = arith.constant 3 : i32
    %add3A_42 = arith.addi %mul3A_2, %add3A_41 : i32
    %dma_start3A_43 = arith.constant 3 : i32
    %dma_start3A_44 = arith.constant 0 : i32
    %dma_start3A_45 = arith.constant 0 : i32
    %dma_start3A_46 = tpu.memref_slice %arg2[%dma_start3A_44, %add3A_42, %dma_start3A_45] : memref<100x4096x128xf32, #tpu.memory_space<hbm>> -> memref<100x1x128xf32, #tpu.memory_space<hbm>>
    %dma_start3A_47 = tpu.memref_squeeze %dma_start3A_46 : memref<100x1x128xf32, #tpu.memory_space<hbm>> -> memref<100x128xf32, #tpu.memory_space<hbm>>
    %dma_start3A_48 = tpu.memref_slice %arg14[%dma_start3A_43] : memref<4x!tpu.dma_semaphore, #tpu.memory_space<semaphore_mem>> -> memref<1x!tpu.dma_semaphore, #tpu.memory_space<semaphore_mem>>
    %dma_start3A_49 = tpu.memref_squeeze %dma_start3A_48 : memref<1x!tpu.dma_semaphore, #tpu.memory_space<semaphore_mem>> -> memref<!tpu.dma_semaphore, #tpu.memory_space<semaphore_mem>>
    %dma_start3A_50 = arith.constant 0 : i32
    %dma_start3A_51 = arith.constant 0 : i32
    %dma_start3A_52 = tpu.memref_slice %arg2[%dma_start3A_50, %add3A_42, %dma_start3A_51] : memref<100x4096x128xf32, #tpu.memory_space<hbm>> -> memref<100x1x128xf32, #tpu.memory_space<hbm>>
    %dma_start3A_53 = tpu.memref_squeeze %dma_start3A_52 : memref<100x1x128xf32, #tpu.memory_space<hbm>> -> memref<100x128xf32, #tpu.memory_space<hbm>>
    tpu.enqueue_dma source(%dma_start3A_53 : memref<100x128xf32, #tpu.memory_space<hbm>>) target(%arg9 : memref<100x128xf32, #tpu.memory_space<vmem>>) target_semaphore(%dma_start3A_49 : memref<!tpu.dma_semaphore, #tpu.memory_space<semaphore_mem>>)
    %scan3A = arith.constant 0 : i32
    %scan3A_54 = arith.constant 0 : i32
    %scan3A_55 = arith.constant 32 : i32
    %scan3A_56 = arith.addi %scan3A_54, %scan3A_55 : i32
    %scan3A_57 = arith.constant 1 : i32
    scf.for %scan3A_109 = %scan3A_54 to %scan3A_56 step %scan3A_57  : i32 {
      %mul3A_110 = arith.constant 4 : i32
      %mul3A_111 = arith.muli %mul3A_110, %scan3A_109 : i32
      %add3A_112 = arith.constant 0 : i32
      %add3A_113 = arith.addi %mul3A_111, %add3A_112 : i32
      %add3A_114 = arith.addi %mul3A_2, %add3A_113 : i32
      %dma_wait3A_115 = arith.constant 0 : i32
      %dma_wait3A_116 = arith.constant 0 : i32
      %dma_wait3A_117 = arith.constant 0 : i32
      %dma_wait3A_118 = tpu.memref_slice %arg2[%dma_wait3A_116, %add3A_114, %dma_wait3A_117] : memref<100x4096x128xf32, #tpu.memory_space<hbm>> -> memref<100x1x128xf32, #tpu.memory_space<hbm>>
      %dma_wait3A_119 = tpu.memref_squeeze %dma_wait3A_118 : memref<100x1x128xf32, #tpu.memory_space<hbm>> -> memref<100x128xf32, #tpu.memory_space<hbm>>
      %dma_wait3A_120 = tpu.memref_slice %arg14[%dma_wait3A_115] : memref<4x!tpu.dma_semaphore, #tpu.memory_space<semaphore_mem>> -> memref<1x!tpu.dma_semaphore, #tpu.memory_space<semaphore_mem>>
      %dma_wait3A_121 = tpu.memref_squeeze %dma_wait3A_120 : memref<1x!tpu.dma_semaphore, #tpu.memory_space<semaphore_mem>> -> memref<!tpu.dma_semaphore, #tpu.memory_space<semaphore_mem>>
      %dma_wait3A_122 = arith.constant 0 : i32
      %dma_wait3A_123 = arith.constant 0 : i32
      %dma_wait3A_124 = tpu.memref_slice %arg2[%dma_wait3A_122, %add3A_114, %dma_wait3A_123] : memref<100x4096x128xf32, #tpu.memory_space<hbm>> -> memref<100x1x128xf32, #tpu.memory_space<hbm>>
      %dma_wait3A_125 = tpu.memref_squeeze %dma_wait3A_124 : memref<100x1x128xf32, #tpu.memory_space<hbm>> -> memref<100x128xf32, #tpu.memory_space<hbm>>
      tpu.wait_dma2 semaphore(%dma_wait3A_121 : memref<!tpu.dma_semaphore, #tpu.memory_space<semaphore_mem>>) src(%dma_wait3A_125 : memref<100x128xf32, #tpu.memory_space<hbm>>) dst(%arg6 : memref<100x128xf32, #tpu.memory_space<vmem>>)
      %add3A_126 = arith.addi %mul3A_2, %add3A_113 : i32
      %add3A_127 = arith.constant 1 : i32
      %add3A_128 = arith.addi %add3A_126, %add3A_127 : i32
      %dma_wait3A_129 = arith.constant 1 : i32
      %dma_wait3A_130 = arith.constant 0 : i32
      %dma_wait3A_131 = arith.constant 0 : i32
      %dma_wait3A_132 = tpu.memref_slice %arg2[%dma_wait3A_130, %add3A_128, %dma_wait3A_131] : memref<100x4096x128xf32, #tpu.memory_space<hbm>> -> memref<100x1x128xf32, #tpu.memory_space<hbm>>
      %dma_wait3A_133 = tpu.memref_squeeze %dma_wait3A_132 : memref<100x1x128xf32, #tpu.memory_space<hbm>> -> memref<100x128xf32, #tpu.memory_space<hbm>>
      %dma_wait3A_134 = tpu.memref_slice %arg14[%dma_wait3A_129] : memref<4x!tpu.dma_semaphore, #tpu.memory_space<semaphore_mem>> -> memref<1x!tpu.dma_semaphore, #tpu.memory_space<semaphore_mem>>
      %dma_wait3A_135 = tpu.memref_squeeze %dma_wait3A_134 : memref<1x!tpu.dma_semaphore, #tpu.memory_space<semaphore_mem>> -> memref<!tpu.dma_semaphore, #tpu.memory_space<semaphore_mem>>
      %dma_wait3A_136 = arith.constant 0 : i32
      %dma_wait3A_137 = arith.constant 0 : i32
      %dma_wait3A_138 = tpu.memref_slice %arg2[%dma_wait3A_136, %add3A_128, %dma_wait3A_137] : memref<100x4096x128xf32, #tpu.memory_space<hbm>> -> memref<100x1x128xf32, #tpu.memory_space<hbm>>
      %dma_wait3A_139 = tpu.memref_squeeze %dma_wait3A_138 : memref<100x1x128xf32, #tpu.memory_space<hbm>> -> memref<100x128xf32, #tpu.memory_space<hbm>>
      tpu.wait_dma2 semaphore(%dma_wait3A_135 : memref<!tpu.dma_semaphore, #tpu.memory_space<semaphore_mem>>) src(%dma_wait3A_139 : memref<100x128xf32, #tpu.memory_space<hbm>>) dst(%arg7 : memref<100x128xf32, #tpu.memory_space<vmem>>)
      %ge3A = arith.constant 1 : i32
      %ge3A_140 = arith.cmpi sge, %scan3A_109, %ge3A : i32
      %convert_element_type3A = arith.extui %ge3A_140 : i1 to i32
      %cond3A = arith.constant 0 : i32
      %cond3A_141 = arith.cmpi ne, %convert_element_type3A, %cond3A : i32
      scf.if %cond3A_141 {
        %add3A_231 = arith.addi %mul3A_2, %add3A_113 : i32
        %sub3A_232 = arith.constant 4 : i32
        %sub3A_233 = arith.subi %add3A_231, %sub3A_232 : i32
        %mul3A_234 = arith.constant 12800 : i32
        %mul3A_235 = arith.muli %sub3A_233, %mul3A_234 : i32
        %dma_wait3A_236 = arith.constant 0 : i32
        %dma_wait3A_237 = tpu.memref_slice %arg4[%mul3A_235] : memref<52428800xf32, #tpu.memory_space<hbm>> -> memref<12800xf32, #tpu.memory_space<hbm>>
        %dma_wait3A_238 = tpu.memref_slice %arg15[%dma_wait3A_236] : memref<4x!tpu.dma_semaphore, #tpu.memory_space<semaphore_mem>> -> memref<1x!tpu.dma_semaphore, #tpu.memory_space<semaphore_mem>>
        %dma_wait3A_239 = tpu.memref_squeeze %dma_wait3A_238 : memref<1x!tpu.dma_semaphore, #tpu.memory_space<semaphore_mem>> -> memref<!tpu.dma_semaphore, #tpu.memory_space<semaphore_mem>>
        %dma_wait3A_240 = tpu.memref_slice %arg4[%mul3A_235] : memref<52428800xf32, #tpu.memory_space<hbm>> -> memref<12800xf32, #tpu.memory_space<hbm>>
        tpu.wait_dma2 semaphore(%dma_wait3A_239 : memref<!tpu.dma_semaphore, #tpu.memory_space<semaphore_mem>>) src(%arg10 : memref<12800xf32, #tpu.memory_space<vmem>>) dst(%dma_wait3A_240 : memref<12800xf32, #tpu.memory_space<hbm>>)
        %add3A_241 = arith.addi %mul3A_2, %add3A_113 : i32
        %sub3A_242 = arith.constant 3 : i32
        %sub3A_243 = arith.subi %add3A_241, %sub3A_242 : i32
        %mul3A_244 = arith.constant 12800 : i32
        %mul3A_245 = arith.muli %sub3A_243, %mul3A_244 : i32
        %dma_wait3A_246 = arith.constant 1 : i32
        %dma_wait3A_247 = tpu.memref_slice %arg4[%mul3A_245] : memref<52428800xf32, #tpu.memory_space<hbm>> -> memref<12800xf32, #tpu.memory_space<hbm>>
        %dma_wait3A_248 = tpu.memref_slice %arg15[%dma_wait3A_246] : memref<4x!tpu.dma_semaphore, #tpu.memory_space<semaphore_mem>> -> memref<1x!tpu.dma_semaphore, #tpu.memory_space<semaphore_mem>>
        %dma_wait3A_249 = tpu.memref_squeeze %dma_wait3A_248 : memref<1x!tpu.dma_semaphore, #tpu.memory_space<semaphore_mem>> -> memref<!tpu.dma_semaphore, #tpu.memory_space<semaphore_mem>>
        %dma_wait3A_250 = tpu.memref_slice %arg4[%mul3A_245] : memref<52428800xf32, #tpu.memory_space<hbm>> -> memref<12800xf32, #tpu.memory_space<hbm>>
        tpu.wait_dma2 semaphore(%dma_wait3A_249 : memref<!tpu.dma_semaphore, #tpu.memory_space<semaphore_mem>>) src(%arg11 : memref<12800xf32, #tpu.memory_space<vmem>>) dst(%dma_wait3A_250 : memref<12800xf32, #tpu.memory_space<hbm>>)
      } else {
      }
      %parallel_loop3A = arith.constant 0 : i32
      %parallel_loop3A_142 = arith.constant 6400 : i32
      %parallel_loop3A_143 = arith.constant 16 : i32
      scf.for %parallel_loop3A_231 = %parallel_loop3A to %parallel_loop3A_142 step %parallel_loop3A_143  : i32 {
        %parallel_loop3A_232 = arith.index_cast %parallel_loop3A_231 : i32 to index
        %parallel_loop3A_233 = tpu.vector_load %arg5[%parallel_loop3A_232] {strides = array<i32>} : memref<6400xi32, #tpu.memory_space<vmem>>, vector<16xi32>,
        %parallel_loop3A_234 = vector.bitcast %parallel_loop3A_233 : vector<16xi32> to vector<32xi16>
        %parallel_loop3A_235 = tpu.unpack_subelements %parallel_loop3A_234, 0 {pack_format = #tpu.pack_format<interleaved>} : vector<32xi16> -> vector<16xi32>
        %parallel_loop3A_236 = tpu.unpack_subelements %parallel_loop3A_234, 1 {pack_format = #tpu.pack_format<interleaved>} : vector<32xi16> -> vector<16xi32>
        %parallel_loop3A_237 = arith.constant 2 : i32
        %parallel_loop3A_238 = arith.muli %parallel_loop3A_237, %parallel_loop3A_231 : i32
        %parallel_loop3A_239 = arith.constant 7 : i32
        %parallel_loop3A_240 = vector.broadcast %parallel_loop3A_239 : i32 to vector<16xi32>
        %parallel_loop3A_241 = arith.shrui %parallel_loop3A_235, %parallel_loop3A_240 : vector<16xi32>
        %parallel_loop3A_242 = arith.constant 127 : i32
        %parallel_loop3A_243 = vector.broadcast %parallel_loop3A_242 : i32 to vector<16xi32>
        %parallel_loop3A_244 = arith.andi %parallel_loop3A_235, %parallel_loop3A_243 : vector<16xi32>
        %parallel_loop3A_245 = tpu.vector_load_idx %arg6[%parallel_loop3A_241, %parallel_loop3A_244] : memref<100x128xf32, #tpu.memory_space<vmem>>[vector<16xi32>, vector<16xi32>], vector<16xf32>,
        %parallel_loop3A_246 = arith.constant 0 : i32
        %parallel_loop3A_247 = arith.addi %parallel_loop3A_238, %parallel_loop3A_246 : i32
        %parallel_loop3A_248 = arith.index_cast %parallel_loop3A_247 : i32 to index
        %parallel_loop3A_249 = tpu.vector_load %arg10[%parallel_loop3A_248] {strides = array<i32>} : memref<12800xf32, #tpu.memory_space<vmem>>, vector<16xf32>,
        tpu.vector_store %arg10[%parallel_loop3A_248], %parallel_loop3A_245 {strides = array<i32>} : memref<12800xf32, #tpu.memory_space<vmem>>, vector<16xf32>,
        %parallel_loop3A_250 = tpu.vector_load_idx %arg7[%parallel_loop3A_241, %parallel_loop3A_244] : memref<100x128xf32, #tpu.memory_space<vmem>>[vector<16xi32>, vector<16xi32>], vector<16xf32>,
        %parallel_loop3A_251 = arith.constant 0 : i32
        %parallel_loop3A_252 = arith.addi %parallel_loop3A_238, %parallel_loop3A_251 : i32
        %parallel_loop3A_253 = arith.index_cast %parallel_loop3A_252 : i32 to index
        %parallel_loop3A_254 = tpu.vector_load %arg11[%parallel_loop3A_253] {strides = array<i32>} : memref<12800xf32, #tpu.memory_space<vmem>>, vector<16xf32>,
        tpu.vector_store %arg11[%parallel_loop3A_253], %parallel_loop3A_250 {strides = array<i32>} : memref<12800xf32, #tpu.memory_space<vmem>>, vector<16xf32>,
        %parallel_loop3A_255 = arith.constant 7 : i32
        %parallel_loop3A_256 = vector.broadcast %parallel_loop3A_255 : i32 to vector<16xi32>
        %parallel_loop3A_257 = arith.shrui %parallel_loop3A_236, %parallel_loop3A_256 : vector<16xi32>
        %parallel_loop3A_258 = arith.constant 127 : i32
        %parallel_loop3A_259 = vector.broadcast %parallel_loop3A_258 : i32 to vector<16xi32>
        %parallel_loop3A_260 = arith.andi %parallel_loop3A_236, %parallel_loop3A_259 : vector<16xi32>
        %parallel_loop3A_261 = tpu.vector_load_idx %arg6[%parallel_loop3A_257, %parallel_loop3A_260] : memref<100x128xf32, #tpu.memory_space<vmem>>[vector<16xi32>, vector<16xi32>], vector<16xf32>,
        %parallel_loop3A_262 = arith.constant 16 : i32
        %parallel_loop3A_263 = arith.addi %parallel_loop3A_238, %parallel_loop3A_262 : i32
        %parallel_loop3A_264 = arith.index_cast %parallel_loop3A_263 : i32 to index
        %parallel_loop3A_265 = tpu.vector_load %arg10[%parallel_loop3A_264] {strides = array<i32>} : memref<12800xf32, #tpu.memory_space<vmem>>, vector<16xf32>,
        tpu.vector_store %arg10[%parallel_loop3A_264], %parallel_loop3A_261 {strides = array<i32>} : memref<12800xf32, #tpu.memory_space<vmem>>, vector<16xf32>,
        %parallel_loop3A_266 = tpu.vector_load_idx %arg7[%parallel_loop3A_257, %parallel_loop3A_260] : memref<100x128xf32, #tpu.memory_space<vmem>>[vector<16xi32>, vector<16xi32>], vector<16xf32>,
        %parallel_loop3A_267 = arith.constant 16 : i32
        %parallel_loop3A_268 = arith.addi %parallel_loop3A_238, %parallel_loop3A_267 : i32
        %parallel_loop3A_269 = arith.index_cast %parallel_loop3A_268 : i32 to index
        %parallel_loop3A_270 = tpu.vector_load %arg11[%parallel_loop3A_269] {strides = array<i32>} : memref<12800xf32, #tpu.memory_space<vmem>>, vector<16xf32>,
        tpu.vector_store %arg11[%parallel_loop3A_269], %parallel_loop3A_266 {strides = array<i32>} : memref<12800xf32, #tpu.memory_space<vmem>>, vector<16xf32>,
      } {sc.loop_unroll_factor = 16 : i64, sc.parallel_access}
      %add3A_144 = arith.constant 4 : i32
      %add3A_145 = arith.addi %add3A_113, %add3A_144 : i32
      %lt3A = arith.constant 128 : i32
      %lt3A_146 = arith.cmpi slt, %add3A_145, %lt3A : i32
      %convert_element_type3A_147 = arith.extui %lt3A_146 : i1 to i32
      %cond3A_148 = arith.constant 0 : i32
      %cond3A_149 = arith.cmpi ne, %convert_element_type3A_147, %cond3A_148 : i32
      scf.if %cond3A_149 {
        %add3A_231 = arith.addi %mul3A_2, %add3A_113 : i32
        %add3A_232 = arith.constant 4 : i32
        %add3A_233 = arith.addi %add3A_231, %add3A_232 : i32
        %dma_start3A_234 = arith.constant 0 : i32
        %dma_start3A_235 = arith.constant 0 : i32
        %dma_start3A_236 = arith.constant 0 : i32
        %dma_start3A_237 = tpu.memref_slice %arg2[%dma_start3A_235, %add3A_233, %dma_start3A_236] : memref<100x4096x128xf32, #tpu.memory_space<hbm>> -> memref<100x1x128xf32, #tpu.memory_space<hbm>>
        %dma_start3A_238 = tpu.memref_squeeze %dma_start3A_237 : memref<100x1x128xf32, #tpu.memory_space<hbm>> -> memref<100x128xf32, #tpu.memory_space<hbm>>
        %dma_start3A_239 = tpu.memref_slice %arg14[%dma_start3A_234] : memref<4x!tpu.dma_semaphore, #tpu.memory_space<semaphore_mem>> -> memref<1x!tpu.dma_semaphore, #tpu.memory_space<semaphore_mem>>
        %dma_start3A_240 = tpu.memref_squeeze %dma_start3A_239 : memref<1x!tpu.dma_semaphore, #tpu.memory_space<semaphore_mem>> -> memref<!tpu.dma_semaphore, #tpu.memory_space<semaphore_mem>>
        %dma_start3A_241 = arith.constant 0 : i32
        %dma_start3A_242 = arith.constant 0 : i32
        %dma_start3A_243 = tpu.memref_slice %arg2[%dma_start3A_241, %add3A_233, %dma_start3A_242] : memref<100x4096x128xf32, #tpu.memory_space<hbm>> -> memref<100x1x128xf32, #tpu.memory_space<hbm>>
        %dma_start3A_244 = tpu.memref_squeeze %dma_start3A_243 : memref<100x1x128xf32, #tpu.memory_space<hbm>> -> memref<100x128xf32, #tpu.memory_space<hbm>>
        tpu.enqueue_dma source(%dma_start3A_244 : memref<100x128xf32, #tpu.memory_space<hbm>>) target(%arg6 : memref<100x128xf32, #tpu.memory_space<vmem>>) target_semaphore(%dma_start3A_240 : memref<!tpu.dma_semaphore, #tpu.memory_space<semaphore_mem>>)
        %add3A_245 = arith.addi %mul3A_2, %add3A_113 : i32
        %add3A_246 = arith.constant 5 : i32
        %add3A_247 = arith.addi %add3A_245, %add3A_246 : i32
        %dma_start3A_248 = arith.constant 1 : i32
        %dma_start3A_249 = arith.constant 0 : i32
        %dma_start3A_250 = arith.constant 0 : i32
        %dma_start3A_251 = tpu.memref_slice %arg2[%dma_start3A_249, %add3A_247, %dma_start3A_250] : memref<100x4096x128xf32, #tpu.memory_space<hbm>> -> memref<100x1x128xf32, #tpu.memory_space<hbm>>
        %dma_start3A_252 = tpu.memref_squeeze %dma_start3A_251 : memref<100x1x128xf32, #tpu.memory_space<hbm>> -> memref<100x128xf32, #tpu.memory_space<hbm>>
        %dma_start3A_253 = tpu.memref_slice %arg14[%dma_start3A_248] : memref<4x!tpu.dma_semaphore, #tpu.memory_space<semaphore_mem>> -> memref<1x!tpu.dma_semaphore, #tpu.memory_space<semaphore_mem>>
        %dma_start3A_254 = tpu.memref_squeeze %dma_start3A_253 : memref<1x!tpu.dma_semaphore, #tpu.memory_space<semaphore_mem>> -> memref<!tpu.dma_semaphore, #tpu.memory_space<semaphore_mem>>
        %dma_start3A_255 = arith.constant 0 : i32
        %dma_start3A_256 = arith.constant 0 : i32
        %dma_start3A_257 = tpu.memref_slice %arg2[%dma_start3A_255, %add3A_247, %dma_start3A_256] : memref<100x4096x128xf32, #tpu.memory_space<hbm>> -> memref<100x1x128xf32, #tpu.memory_space<hbm>>
        %dma_start3A_258 = tpu.memref_squeeze %dma_start3A_257 : memref<100x1x128xf32, #tpu.memory_space<hbm>> -> memref<100x128xf32, #tpu.memory_space<hbm>>
        tpu.enqueue_dma source(%dma_start3A_258 : memref<100x128xf32, #tpu.memory_space<hbm>>) target(%arg7 : memref<100x128xf32, #tpu.memory_space<vmem>>) target_semaphore(%dma_start3A_254 : memref<!tpu.dma_semaphore, #tpu.memory_space<semaphore_mem>>)
      } else {
      }
      %add3A_150 = arith.addi %mul3A_2, %add3A_113 : i32
      %mul3A_151 = arith.constant 12800 : i32
      %mul3A_152 = arith.muli %add3A_150, %mul3A_151 : i32
      %dma_start3A_153 = arith.constant 0 : i32
      %dma_start3A_154 = tpu.memref_slice %arg4[%mul3A_152] : memref<52428800xf32, #tpu.memory_space<hbm>> -> memref<12800xf32, #tpu.memory_space<hbm>>
      %dma_start3A_155 = tpu.memref_slice %arg15[%dma_start3A_153] : memref<4x!tpu.dma_semaphore, #tpu.memory_space<semaphore_mem>> -> memref<1x!tpu.dma_semaphore, #tpu.memory_space<semaphore_mem>>
      %dma_start3A_156 = tpu.memref_squeeze %dma_start3A_155 : memref<1x!tpu.dma_semaphore, #tpu.memory_space<semaphore_mem>> -> memref<!tpu.dma_semaphore, #tpu.memory_space<semaphore_mem>>
      %dma_start3A_157 = tpu.memref_slice %arg4[%mul3A_152] : memref<52428800xf32, #tpu.memory_space<hbm>> -> memref<12800xf32, #tpu.memory_space<hbm>>
      tpu.enqueue_dma source(%arg10 : memref<12800xf32, #tpu.memory_space<vmem>>) target(%dma_start3A_157 : memref<12800xf32, #tpu.memory_space<hbm>>) target_semaphore(%dma_start3A_156 : memref<!tpu.dma_semaphore, #tpu.memory_space<semaphore_mem>>)
      %add3A_158 = arith.addi %mul3A_2, %add3A_113 : i32
      %add3A_159 = arith.constant 1 : i32
      %add3A_160 = arith.addi %add3A_158, %add3A_159 : i32
      %mul3A_161 = arith.constant 12800 : i32
      %mul3A_162 = arith.muli %add3A_160, %mul3A_161 : i32
      %dma_start3A_163 = arith.constant 1 : i32
      %dma_start3A_164 = tpu.memref_slice %arg4[%mul3A_162] : memref<52428800xf32, #tpu.memory_space<hbm>> -> memref<12800xf32, #tpu.memory_space<hbm>>
      %dma_start3A_165 = tpu.memref_slice %arg15[%dma_start3A_163] : memref<4x!tpu.dma_semaphore, #tpu.memory_space<semaphore_mem>> -> memref<1x!tpu.dma_semaphore, #tpu.memory_space<semaphore_mem>>
      %dma_start3A_166 = tpu.memref_squeeze %dma_start3A_165 : memref<1x!tpu.dma_semaphore, #tpu.memory_space<semaphore_mem>> -> memref<!tpu.dma_semaphore, #tpu.memory_space<semaphore_mem>>
      %dma_start3A_167 = tpu.memref_slice %arg4[%mul3A_162] : memref<52428800xf32, #tpu.memory_space<hbm>> -> memref<12800xf32, #tpu.memory_space<hbm>>
      tpu.enqueue_dma source(%arg11 : memref<12800xf32, #tpu.memory_space<vmem>>) target(%dma_start3A_167 : memref<12800xf32, #tpu.memory_space<hbm>>) target_semaphore(%dma_start3A_166 : memref<!tpu.dma_semaphore, #tpu.memory_space<semaphore_mem>>)
      %mul3A_168 = arith.constant 4 : i32
      %mul3A_169 = arith.muli %mul3A_168, %scan3A_109 : i32
      %add3A_170 = arith.constant 2 : i32
      %add3A_171 = arith.addi %mul3A_169, %add3A_170 : i32
      %add3A_172 = arith.addi %mul3A_2, %add3A_171 : i32
      %dma_wait3A_173 = arith.constant 2 : i32
      %dma_wait3A_174 = arith.constant 0 : i32
      %dma_wait3A_175 = arith.constant 0 : i32
      %dma_wait3A_176 = tpu.memref_slice %arg2[%dma_wait3A_174, %add3A_172, %dma_wait3A_175] : memref<100x4096x128xf32, #tpu.memory_space<hbm>> -> memref<100x1x128xf32, #tpu.memory_space<hbm>>
      %dma_wait3A_177 = tpu.memref_squeeze %dma_wait3A_176 : memref<100x1x128xf32, #tpu.memory_space<hbm>> -> memref<100x128xf32, #tpu.memory_space<hbm>>
      %dma_wait3A_178 = tpu.memref_slice %arg14[%dma_wait3A_173] : memref<4x!tpu.dma_semaphore, #tpu.memory_space<semaphore_mem>> -> memref<1x!tpu.dma_semaphore, #tpu.memory_space<semaphore_mem>>
      %dma_wait3A_179 = tpu.memref_squeeze %dma_wait3A_178 : memref<1x!tpu.dma_semaphore, #tpu.memory_space<semaphore_mem>> -> memref<!tpu.dma_semaphore, #tpu.memory_space<semaphore_mem>>
      %dma_wait3A_180 = arith.constant 0 : i32
      %dma_wait3A_181 = arith.constant 0 : i32
      %dma_wait3A_182 = tpu.memref_slice %arg2[%dma_wait3A_180, %add3A_172, %dma_wait3A_181] : memref<100x4096x128xf32, #tpu.memory_space<hbm>> -> memref<100x1x128xf32, #tpu.memory_space<hbm>>
      %dma_wait3A_183 = tpu.memref_squeeze %dma_wait3A_182 : memref<100x1x128xf32, #tpu.memory_space<hbm>> -> memref<100x128xf32, #tpu.memory_space<hbm>>
      tpu.wait_dma2 semaphore(%dma_wait3A_179 : memref<!tpu.dma_semaphore, #tpu.memory_space<semaphore_mem>>) src(%dma_wait3A_183 : memref<100x128xf32, #tpu.memory_space<hbm>>) dst(%arg8 : memref<100x128xf32, #tpu.memory_space<vmem>>)
      %add3A_184 = arith.addi %mul3A_2, %add3A_171 : i32
      %add3A_185 = arith.constant 1 : i32
      %add3A_186 = arith.addi %add3A_184, %add3A_185 : i32
      %dma_wait3A_187 = arith.constant 3 : i32
      %dma_wait3A_188 = arith.constant 0 : i32
      %dma_wait3A_189 = arith.constant 0 : i32
      %dma_wait3A_190 = tpu.memref_slice %arg2[%dma_wait3A_188, %add3A_186, %dma_wait3A_189] : memref<100x4096x128xf32, #tpu.memory_space<hbm>> -> memref<100x1x128xf32, #tpu.memory_space<hbm>>
      %dma_wait3A_191 = tpu.memref_squeeze %dma_wait3A_190 : memref<100x1x128xf32, #tpu.memory_space<hbm>> -> memref<100x128xf32, #tpu.memory_space<hbm>>
      %dma_wait3A_192 = tpu.memref_slice %arg14[%dma_wait3A_187] : memref<4x!tpu.dma_semaphore, #tpu.memory_space<semaphore_mem>> -> memref<1x!tpu.dma_semaphore, #tpu.memory_space<semaphore_mem>>
      %dma_wait3A_193 = tpu.memref_squeeze %dma_wait3A_192 : memref<1x!tpu.dma_semaphore, #tpu.memory_space<semaphore_mem>> -> memref<!tpu.dma_semaphore, #tpu.memory_space<semaphore_mem>>
      %dma_wait3A_194 = arith.constant 0 : i32
      %dma_wait3A_195 = arith.constant 0 : i32
      %dma_wait3A_196 = tpu.memref_slice %arg2[%dma_wait3A_194, %add3A_186, %dma_wait3A_195] : memref<100x4096x128xf32, #tpu.memory_space<hbm>> -> memref<100x1x128xf32, #tpu.memory_space<hbm>>
      %dma_wait3A_197 = tpu.memref_squeeze %dma_wait3A_196 : memref<100x1x128xf32, #tpu.memory_space<hbm>> -> memref<100x128xf32, #tpu.memory_space<hbm>>
      tpu.wait_dma2 semaphore(%dma_wait3A_193 : memref<!tpu.dma_semaphore, #tpu.memory_space<semaphore_mem>>) src(%dma_wait3A_197 : memref<100x128xf32, #tpu.memory_space<hbm>>) dst(%arg9 : memref<100x128xf32, #tpu.memory_space<vmem>>)
      %ge3A_198 = arith.constant 1 : i32
      %ge3A_199 = arith.cmpi sge, %scan3A_109, %ge3A_198 : i32
      %convert_element_type3A_200 = arith.extui %ge3A_199 : i1 to i32
      %cond3A_201 = arith.constant 0 : i32
      %cond3A_202 = arith.cmpi ne, %convert_element_type3A_200, %cond3A_201 : i32
      scf.if %cond3A_202 {
        %add3A_231 = arith.addi %mul3A_2, %add3A_171 : i32
        %sub3A_232 = arith.constant 4 : i32
        %sub3A_233 = arith.subi %add3A_231, %sub3A_232 : i32
        %mul3A_234 = arith.constant 12800 : i32
        %mul3A_235 = arith.muli %sub3A_233, %mul3A_234 : i32
        %dma_wait3A_236 = arith.constant 2 : i32
        %dma_wait3A_237 = tpu.memref_slice %arg4[%mul3A_235] : memref<52428800xf32, #tpu.memory_space<hbm>> -> memref<12800xf32, #tpu.memory_space<hbm>>
        %dma_wait3A_238 = tpu.memref_slice %arg15[%dma_wait3A_236] : memref<4x!tpu.dma_semaphore, #tpu.memory_space<semaphore_mem>> -> memref<1x!tpu.dma_semaphore, #tpu.memory_space<semaphore_mem>>
        %dma_wait3A_239 = tpu.memref_squeeze %dma_wait3A_238 : memref<1x!tpu.dma_semaphore, #tpu.memory_space<semaphore_mem>> -> memref<!tpu.dma_semaphore, #tpu.memory_space<semaphore_mem>>
        %dma_wait3A_240 = tpu.memref_slice %arg4[%mul3A_235] : memref<52428800xf32, #tpu.memory_space<hbm>> -> memref<12800xf32, #tpu.memory_space<hbm>>
        tpu.wait_dma2 semaphore(%dma_wait3A_239 : memref<!tpu.dma_semaphore, #tpu.memory_space<semaphore_mem>>) src(%arg12 : memref<12800xf32, #tpu.memory_space<vmem>>) dst(%dma_wait3A_240 : memref<12800xf32, #tpu.memory_space<hbm>>)
        %add3A_241 = arith.addi %mul3A_2, %add3A_171 : i32
        %sub3A_242 = arith.constant 3 : i32
        %sub3A_243 = arith.subi %add3A_241, %sub3A_242 : i32
        %mul3A_244 = arith.constant 12800 : i32
        %mul3A_245 = arith.muli %sub3A_243, %mul3A_244 : i32
        %dma_wait3A_246 = arith.constant 3 : i32
        %dma_wait3A_247 = tpu.memref_slice %arg4[%mul3A_245] : memref<52428800xf32, #tpu.memory_space<hbm>> -> memref<12800xf32, #tpu.memory_space<hbm>>
        %dma_wait3A_248 = tpu.memref_slice %arg15[%dma_wait3A_246] : memref<4x!tpu.dma_semaphore, #tpu.memory_space<semaphore_mem>> -> memref<1x!tpu.dma_semaphore, #tpu.memory_space<semaphore_mem>>
        %dma_wait3A_249 = tpu.memref_squeeze %dma_wait3A_248 : memref<1x!tpu.dma_semaphore, #tpu.memory_space<semaphore_mem>> -> memref<!tpu.dma_semaphore, #tpu.memory_space<semaphore_mem>>
        %dma_wait3A_250 = tpu.memref_slice %arg4[%mul3A_245] : memref<52428800xf32, #tpu.memory_space<hbm>> -> memref<12800xf32, #tpu.memory_space<hbm>>
        tpu.wait_dma2 semaphore(%dma_wait3A_249 : memref<!tpu.dma_semaphore, #tpu.memory_space<semaphore_mem>>) src(%arg13 : memref<12800xf32, #tpu.memory_space<vmem>>) dst(%dma_wait3A_250 : memref<12800xf32, #tpu.memory_space<hbm>>)
      } else {
      }
      %parallel_loop3A_203 = arith.constant 0 : i32
      %parallel_loop3A_204 = arith.constant 6400 : i32
      %parallel_loop3A_205 = arith.constant 16 : i32
      scf.for %parallel_loop3A_231 = %parallel_loop3A_203 to %parallel_loop3A_204 step %parallel_loop3A_205  : i32 {
        %parallel_loop3A_232 = arith.index_cast %parallel_loop3A_231 : i32 to index
        %parallel_loop3A_233 = tpu.vector_load %arg5[%parallel_loop3A_232] {strides = array<i32>} : memref<6400xi32, #tpu.memory_space<vmem>>, vector<16xi32>,
        %parallel_loop3A_234 = vector.bitcast %parallel_loop3A_233 : vector<16xi32> to vector<32xi16>
        %parallel_loop3A_235 = tpu.unpack_subelements %parallel_loop3A_234, 0 {pack_format = #tpu.pack_format<interleaved>} : vector<32xi16> -> vector<16xi32>
        %parallel_loop3A_236 = tpu.unpack_subelements %parallel_loop3A_234, 1 {pack_format = #tpu.pack_format<interleaved>} : vector<32xi16> -> vector<16xi32>
        %parallel_loop3A_237 = arith.constant 2 : i32
        %parallel_loop3A_238 = arith.muli %parallel_loop3A_237, %parallel_loop3A_231 : i32
        %parallel_loop3A_239 = arith.constant 7 : i32
        %parallel_loop3A_240 = vector.broadcast %parallel_loop3A_239 : i32 to vector<16xi32>
        %parallel_loop3A_241 = arith.shrui %parallel_loop3A_235, %parallel_loop3A_240 : vector<16xi32>
        %parallel_loop3A_242 = arith.constant 127 : i32
        %parallel_loop3A_243 = vector.broadcast %parallel_loop3A_242 : i32 to vector<16xi32>
        %parallel_loop3A_244 = arith.andi %parallel_loop3A_235, %parallel_loop3A_243 : vector<16xi32>
        %parallel_loop3A_245 = tpu.vector_load_idx %arg8[%parallel_loop3A_241, %parallel_loop3A_244] : memref<100x128xf32, #tpu.memory_space<vmem>>[vector<16xi32>, vector<16xi32>], vector<16xf32>,
        %parallel_loop3A_246 = arith.constant 0 : i32
        %parallel_loop3A_247 = arith.addi %parallel_loop3A_238, %parallel_loop3A_246 : i32
        %parallel_loop3A_248 = arith.index_cast %parallel_loop3A_247 : i32 to index
        %parallel_loop3A_249 = tpu.vector_load %arg12[%parallel_loop3A_248] {strides = array<i32>} : memref<12800xf32, #tpu.memory_space<vmem>>, vector<16xf32>,
        tpu.vector_store %arg12[%parallel_loop3A_248], %parallel_loop3A_245 {strides = array<i32>} : memref<12800xf32, #tpu.memory_space<vmem>>, vector<16xf32>,
        %parallel_loop3A_250 = tpu.vector_load_idx %arg9[%parallel_loop3A_241, %parallel_loop3A_244] : memref<100x128xf32, #tpu.memory_space<vmem>>[vector<16xi32>, vector<16xi32>], vector<16xf32>,
        %parallel_loop3A_251 = arith.constant 0 : i32
        %parallel_loop3A_252 = arith.addi %parallel_loop3A_238, %parallel_loop3A_251 : i32
        %parallel_loop3A_253 = arith.index_cast %parallel_loop3A_252 : i32 to index
        %parallel_loop3A_254 = tpu.vector_load %arg13[%parallel_loop3A_253] {strides = array<i32>} : memref<12800xf32, #tpu.memory_space<vmem>>, vector<16xf32>,
        tpu.vector_store %arg13[%parallel_loop3A_253], %parallel_loop3A_250 {strides = array<i32>} : memref<12800xf32, #tpu.memory_space<vmem>>, vector<16xf32>,
        %parallel_loop3A_255 = arith.constant 7 : i32
        %parallel_loop3A_256 = vector.broadcast %parallel_loop3A_255 : i32 to vector<16xi32>
        %parallel_loop3A_257 = arith.shrui %parallel_loop3A_236, %parallel_loop3A_256 : vector<16xi32>
        %parallel_loop3A_258 = arith.constant 127 : i32
        %parallel_loop3A_259 = vector.broadcast %parallel_loop3A_258 : i32 to vector<16xi32>
        %parallel_loop3A_260 = arith.andi %parallel_loop3A_236, %parallel_loop3A_259 : vector<16xi32>
        %parallel_loop3A_261 = tpu.vector_load_idx %arg8[%parallel_loop3A_257, %parallel_loop3A_260] : memref<100x128xf32, #tpu.memory_space<vmem>>[vector<16xi32>, vector<16xi32>], vector<16xf32>,
        %parallel_loop3A_262 = arith.constant 16 : i32
        %parallel_loop3A_263 = arith.addi %parallel_loop3A_238, %parallel_loop3A_262 : i32
        %parallel_loop3A_264 = arith.index_cast %parallel_loop3A_263 : i32 to index
        %parallel_loop3A_265 = tpu.vector_load %arg12[%parallel_loop3A_264] {strides = array<i32>} : memref<12800xf32, #tpu.memory_space<vmem>>, vector<16xf32>,
        tpu.vector_store %arg12[%parallel_loop3A_264], %parallel_loop3A_261 {strides = array<i32>} : memref<12800xf32, #tpu.memory_space<vmem>>, vector<16xf32>,
        %parallel_loop3A_266 = tpu.vector_load_idx %arg9[%parallel_loop3A_257, %parallel_loop3A_260] : memref<100x128xf32, #tpu.memory_space<vmem>>[vector<16xi32>, vector<16xi32>], vector<16xf32>,
        %parallel_loop3A_267 = arith.constant 16 : i32
        %parallel_loop3A_268 = arith.addi %parallel_loop3A_238, %parallel_loop3A_267 : i32
        %parallel_loop3A_269 = arith.index_cast %parallel_loop3A_268 : i32 to index
        %parallel_loop3A_270 = tpu.vector_load %arg13[%parallel_loop3A_269] {strides = array<i32>} : memref<12800xf32, #tpu.memory_space<vmem>>, vector<16xf32>,
        tpu.vector_store %arg13[%parallel_loop3A_269], %parallel_loop3A_266 {strides = array<i32>} : memref<12800xf32, #tpu.memory_space<vmem>>, vector<16xf32>,
      } {sc.loop_unroll_factor = 16 : i64, sc.parallel_access}
      %add3A_206 = arith.constant 4 : i32
      %add3A_207 = arith.addi %add3A_171, %add3A_206 : i32
      %lt3A_208 = arith.constant 128 : i32
      %lt3A_209 = arith.cmpi slt, %add3A_207, %lt3A_208 : i32
      %convert_element_type3A_210 = arith.extui %lt3A_209 : i1 to i32
      %cond3A_211 = arith.constant 0 : i32
      %cond3A_212 = arith.cmpi ne, %convert_element_type3A_210, %cond3A_211 : i32
      scf.if %cond3A_212 {
        %add3A_231 = arith.addi %mul3A_2, %add3A_171 : i32
        %add3A_232 = arith.constant 4 : i32
        %add3A_233 = arith.addi %add3A_231, %add3A_232 : i32
        %dma_start3A_234 = arith.constant 2 : i32
        %dma_start3A_235 = arith.constant 0 : i32
        %dma_start3A_236 = arith.constant 0 : i32
        %dma_start3A_237 = tpu.memref_slice %arg2[%dma_start3A_235, %add3A_233, %dma_start3A_236] : memref<100x4096x128xf32, #tpu.memory_space<hbm>> -> memref<100x1x128xf32, #tpu.memory_space<hbm>>
        %dma_start3A_238 = tpu.memref_squeeze %dma_start3A_237 : memref<100x1x128xf32, #tpu.memory_space<hbm>> -> memref<100x128xf32, #tpu.memory_space<hbm>>
        %dma_start3A_239 = tpu.memref_slice %arg14[%dma_start3A_234] : memref<4x!tpu.dma_semaphore, #tpu.memory_space<semaphore_mem>> -> memref<1x!tpu.dma_semaphore, #tpu.memory_space<semaphore_mem>>
        %dma_start3A_240 = tpu.memref_squeeze %dma_start3A_239 : memref<1x!tpu.dma_semaphore, #tpu.memory_space<semaphore_mem>> -> memref<!tpu.dma_semaphore, #tpu.memory_space<semaphore_mem>>
        %dma_start3A_241 = arith.constant 0 : i32
        %dma_start3A_242 = arith.constant 0 : i32
        %dma_start3A_243 = tpu.memref_slice %arg2[%dma_start3A_241, %add3A_233, %dma_start3A_242] : memref<100x4096x128xf32, #tpu.memory_space<hbm>> -> memref<100x1x128xf32, #tpu.memory_space<hbm>>
        %dma_start3A_244 = tpu.memref_squeeze %dma_start3A_243 : memref<100x1x128xf32, #tpu.memory_space<hbm>> -> memref<100x128xf32, #tpu.memory_space<hbm>>
        tpu.enqueue_dma source(%dma_start3A_244 : memref<100x128xf32, #tpu.memory_space<hbm>>) target(%arg8 : memref<100x128xf32, #tpu.memory_space<vmem>>) target_semaphore(%dma_start3A_240 : memref<!tpu.dma_semaphore, #tpu.memory_space<semaphore_mem>>)
        %add3A_245 = arith.addi %mul3A_2, %add3A_171 : i32
        %add3A_246 = arith.constant 5 : i32
        %add3A_247 = arith.addi %add3A_245, %add3A_246 : i32
        %dma_start3A_248 = arith.constant 3 : i32
        %dma_start3A_249 = arith.constant 0 : i32
        %dma_start3A_250 = arith.constant 0 : i32
        %dma_start3A_251 = tpu.memref_slice %arg2[%dma_start3A_249, %add3A_247, %dma_start3A_250] : memref<100x4096x128xf32, #tpu.memory_space<hbm>> -> memref<100x1x128xf32, #tpu.memory_space<hbm>>
        %dma_start3A_252 = tpu.memref_squeeze %dma_start3A_251 : memref<100x1x128xf32, #tpu.memory_space<hbm>> -> memref<100x128xf32, #tpu.memory_space<hbm>>
        %dma_start3A_253 = tpu.memref_slice %arg14[%dma_start3A_248] : memref<4x!tpu.dma_semaphore, #tpu.memory_space<semaphore_mem>> -> memref<1x!tpu.dma_semaphore, #tpu.memory_space<semaphore_mem>>
        %dma_start3A_254 = tpu.memref_squeeze %dma_start3A_253 : memref<1x!tpu.dma_semaphore, #tpu.memory_space<semaphore_mem>> -> memref<!tpu.dma_semaphore, #tpu.memory_space<semaphore_mem>>
        %dma_start3A_255 = arith.constant 0 : i32
        %dma_start3A_256 = arith.constant 0 : i32
        %dma_start3A_257 = tpu.memref_slice %arg2[%dma_start3A_255, %add3A_247, %dma_start3A_256] : memref<100x4096x128xf32, #tpu.memory_space<hbm>> -> memref<100x1x128xf32, #tpu.memory_space<hbm>>
        %dma_start3A_258 = tpu.memref_squeeze %dma_start3A_257 : memref<100x1x128xf32, #tpu.memory_space<hbm>> -> memref<100x128xf32, #tpu.memory_space<hbm>>
        tpu.enqueue_dma source(%dma_start3A_258 : memref<100x128xf32, #tpu.memory_space<hbm>>) target(%arg9 : memref<100x128xf32, #tpu.memory_space<vmem>>) target_semaphore(%dma_start3A_254 : memref<!tpu.dma_semaphore, #tpu.memory_space<semaphore_mem>>)
      } else {
      }
      %add3A_213 = arith.addi %mul3A_2, %add3A_171 : i32
      %mul3A_214 = arith.constant 12800 : i32
      %mul3A_215 = arith.muli %add3A_213, %mul3A_214 : i32
      %dma_start3A_216 = arith.constant 2 : i32
      %dma_start3A_217 = tpu.memref_slice %arg4[%mul3A_215] : memref<52428800xf32, #tpu.memory_space<hbm>> -> memref<12800xf32, #tpu.memory_space<hbm>>
      %dma_start3A_218 = tpu.memref_slice %arg15[%dma_start3A_216] : memref<4x!tpu.dma_semaphore, #tpu.memory_space<semaphore_mem>> -> memref<1x!tpu.dma_semaphore, #tpu.memory_space<semaphore_mem>>
      %dma_start3A_219 = tpu.memref_squeeze %dma_start3A_218 : memref<1x!tpu.dma_semaphore, #tpu.memory_space<semaphore_mem>> -> memref<!tpu.dma_semaphore, #tpu.memory_space<semaphore_mem>>
      %dma_start3A_220 = tpu.memref_slice %arg4[%mul3A_215] : memref<52428800xf32, #tpu.memory_space<hbm>> -> memref<12800xf32, #tpu.memory_space<hbm>>
      tpu.enqueue_dma source(%arg12 : memref<12800xf32, #tpu.memory_space<vmem>>) target(%dma_start3A_220 : memref<12800xf32, #tpu.memory_space<hbm>>) target_semaphore(%dma_start3A_219 : memref<!tpu.dma_semaphore, #tpu.memory_space<semaphore_mem>>)
      %add3A_221 = arith.addi %mul3A_2, %add3A_171 : i32
      %add3A_222 = arith.constant 1 : i32
      %add3A_223 = arith.addi %add3A_221, %add3A_222 : i32
      %mul3A_224 = arith.constant 12800 : i32
      %mul3A_225 = arith.muli %add3A_223, %mul3A_224 : i32
      %dma_start3A_226 = arith.constant 3 : i32
      %dma_start3A_227 = tpu.memref_slice %arg4[%mul3A_225] : memref<52428800xf32, #tpu.memory_space<hbm>> -> memref<12800xf32, #tpu.memory_space<hbm>>
      %dma_start3A_228 = tpu.memref_slice %arg15[%dma_start3A_226] : memref<4x!tpu.dma_semaphore, #tpu.memory_space<semaphore_mem>> -> memref<1x!tpu.dma_semaphore, #tpu.memory_space<semaphore_mem>>
      %dma_start3A_229 = tpu.memref_squeeze %dma_start3A_228 : memref<1x!tpu.dma_semaphore, #tpu.memory_space<semaphore_mem>> -> memref<!tpu.dma_semaphore, #tpu.memory_space<semaphore_mem>>
      %dma_start3A_230 = tpu.memref_slice %arg4[%mul3A_225] : memref<52428800xf32, #tpu.memory_space<hbm>> -> memref<12800xf32, #tpu.memory_space<hbm>>
      tpu.enqueue_dma source(%arg13 : memref<12800xf32, #tpu.memory_space<vmem>>) target(%dma_start3A_230 : memref<12800xf32, #tpu.memory_space<hbm>>) target_semaphore(%dma_start3A_229 : memref<!tpu.dma_semaphore, #tpu.memory_space<semaphore_mem>>)
    }
    %scan3A_58 = arith.constant 32 : i32
    %add3A_59 = arith.constant 128 : i32
    %add3A_60 = arith.addi %mul3A_2, %add3A_59 : i32
    %sub3A = arith.constant 4 : i32
    %sub3A_61 = arith.subi %add3A_60, %sub3A : i32
    %add3A_62 = arith.constant 0 : i32
    %add3A_63 = arith.addi %sub3A_61, %add3A_62 : i32
    %mul3A_64 = arith.constant 12800 : i32
    %mul3A_65 = arith.muli %add3A_63, %mul3A_64 : i32
    %dma_wait3A = arith.constant 0 : i32
    %dma_wait3A_66 = tpu.memref_slice %arg4[%mul3A_65] : memref<52428800xf32, #tpu.memory_space<hbm>> -> memref<12800xf32, #tpu.memory_space<hbm>>
    %dma_wait3A_67 = tpu.memref_slice %arg15[%dma_wait3A] : memref<4x!tpu.dma_semaphore, #tpu.memory_space<semaphore_mem>> -> memref<1x!tpu.dma_semaphore, #tpu.memory_space<semaphore_mem>>
    %dma_wait3A_68 = tpu.memref_squeeze %dma_wait3A_67 : memref<1x!tpu.dma_semaphore, #tpu.memory_space<semaphore_mem>> -> memref<!tpu.dma_semaphore, #tpu.memory_space<semaphore_mem>>
    %dma_wait3A_69 = tpu.memref_slice %arg4[%mul3A_65] : memref<52428800xf32, #tpu.memory_space<hbm>> -> memref<12800xf32, #tpu.memory_space<hbm>>
    tpu.wait_dma2 semaphore(%dma_wait3A_68 : memref<!tpu.dma_semaphore, #tpu.memory_space<semaphore_mem>>) src(%arg10 : memref<12800xf32, #tpu.memory_space<vmem>>) dst(%dma_wait3A_69 : memref<12800xf32, #tpu.memory_space<hbm>>)
    %add3A_70 = arith.constant 128 : i32
    %add3A_71 = arith.addi %mul3A_2, %add3A_70 : i32
    %sub3A_72 = arith.constant 4 : i32
    %sub3A_73 = arith.subi %add3A_71, %sub3A_72 : i32
    %add3A_74 = arith.constant 1 : i32
    %add3A_75 = arith.addi %sub3A_73, %add3A_74 : i32
    %mul3A_76 = arith.constant 12800 : i32
    %mul3A_77 = arith.muli %add3A_75, %mul3A_76 : i32
    %dma_wait3A_78 = arith.constant 1 : i32
    %dma_wait3A_79 = tpu.memref_slice %arg4[%mul3A_77] : memref<52428800xf32, #tpu.memory_space<hbm>> -> memref<12800xf32, #tpu.memory_space<hbm>>
    %dma_wait3A_80 = tpu.memref_slice %arg15[%dma_wait3A_78] : memref<4x!tpu.dma_semaphore, #tpu.memory_space<semaphore_mem>> -> memref<1x!tpu.dma_semaphore, #tpu.memory_space<semaphore_mem>>
    %dma_wait3A_81 = tpu.memref_squeeze %dma_wait3A_80 : memref<1x!tpu.dma_semaphore, #tpu.memory_space<semaphore_mem>> -> memref<!tpu.dma_semaphore, #tpu.memory_space<semaphore_mem>>
    %dma_wait3A_82 = tpu.memref_slice %arg4[%mul3A_77] : memref<52428800xf32, #tpu.memory_space<hbm>> -> memref<12800xf32, #tpu.memory_space<hbm>>
    tpu.wait_dma2 semaphore(%dma_wait3A_81 : memref<!tpu.dma_semaphore, #tpu.memory_space<semaphore_mem>>) src(%arg11 : memref<12800xf32, #tpu.memory_space<vmem>>) dst(%dma_wait3A_82 : memref<12800xf32, #tpu.memory_space<hbm>>)
    %add3A_83 = arith.constant 128 : i32
    %add3A_84 = arith.addi %mul3A_2, %add3A_83 : i32
    %sub3A_85 = arith.constant 4 : i32
    %sub3A_86 = arith.subi %add3A_84, %sub3A_85 : i32
    %add3A_87 = arith.constant 2 : i32
    %add3A_88 = arith.addi %sub3A_86, %add3A_87 : i32
    %mul3A_89 = arith.constant 12800 : i32
    %mul3A_90 = arith.muli %add3A_88, %mul3A_89 : i32
    %dma_wait3A_91 = arith.constant 2 : i32
    %dma_wait3A_92 = tpu.memref_slice %arg4[%mul3A_90] : memref<52428800xf32, #tpu.memory_space<hbm>> -> memref<12800xf32, #tpu.memory_space<hbm>>
    %dma_wait3A_93 = tpu.memref_slice %arg15[%dma_wait3A_91] : memref<4x!tpu.dma_semaphore, #tpu.memory_space<semaphore_mem>> -> memref<1x!tpu.dma_semaphore, #tpu.memory_space<semaphore_mem>>
    %dma_wait3A_94 = tpu.memref_squeeze %dma_wait3A_93 : memref<1x!tpu.dma_semaphore, #tpu.memory_space<semaphore_mem>> -> memref<!tpu.dma_semaphore, #tpu.memory_space<semaphore_mem>>
    %dma_wait3A_95 = tpu.memref_slice %arg4[%mul3A_90] : memref<52428800xf32, #tpu.memory_space<hbm>> -> memref<12800xf32, #tpu.memory_space<hbm>>
    tpu.wait_dma2 semaphore(%dma_wait3A_94 : memref<!tpu.dma_semaphore, #tpu.memory_space<semaphore_mem>>) src(%arg12 : memref<12800xf32, #tpu.memory_space<vmem>>) dst(%dma_wait3A_95 : memref<12800xf32, #tpu.memory_space<hbm>>)
    %add3A_96 = arith.constant 128 : i32
    %add3A_97 = arith.addi %mul3A_2, %add3A_96 : i32
    %sub3A_98 = arith.constant 4 : i32
    %sub3A_99 = arith.subi %add3A_97, %sub3A_98 : i32
    %add3A_100 = arith.constant 3 : i32
    %add3A_101 = arith.addi %sub3A_99, %add3A_100 : i32
    %mul3A_102 = arith.constant 12800 : i32
    %mul3A_103 = arith.muli %add3A_101, %mul3A_102 : i32
    %dma_wait3A_104 = arith.constant 3 : i32
    %dma_wait3A_105 = tpu.memref_slice %arg4[%mul3A_103] : memref<52428800xf32, #tpu.memory_space<hbm>> -> memref<12800xf32, #tpu.memory_space<hbm>>
    %dma_wait3A_106 = tpu.memref_slice %arg15[%dma_wait3A_104] : memref<4x!tpu.dma_semaphore, #tpu.memory_space<semaphore_mem>> -> memref<1x!tpu.dma_semaphore, #tpu.memory_space<semaphore_mem>>
    %dma_wait3A_107 = tpu.memref_squeeze %dma_wait3A_106 : memref<1x!tpu.dma_semaphore, #tpu.memory_space<semaphore_mem>> -> memref<!tpu.dma_semaphore, #tpu.memory_space<semaphore_mem>>
    %dma_wait3A_108 = tpu.memref_slice %arg4[%mul3A_103] : memref<52428800xf32, #tpu.memory_space<hbm>> -> memref<12800xf32, #tpu.memory_space<hbm>>
    tpu.wait_dma2 semaphore(%dma_wait3A_107 : memref<!tpu.dma_semaphore, #tpu.memory_space<semaphore_mem>>) src(%arg13 : memref<12800xf32, #tpu.memory_space<vmem>>) dst(%dma_wait3A_108 : memref<12800xf32, #tpu.memory_space<hbm>>)
    return
  }
}

</mosaic_0001>

<sc_bundles>
// kernel: kernel.3.cloned.1.call-start
scs
__scs_entry_jumppad:
0x0: {  	(pc) =	sbr.rel $0x88, $3  }
0x1: {  	(tag) =	ssettag $0x0;
	lr =	simm.s32 $0x1  }
0x2: {  	[smem:$0x3F9F] =	sst lr;
	_ =	strace $0xD0000000  }
0x3: {  	_ = 	snop  }
0x4: {  	_ = 	snop  }
0x5: {  	_ = 	snop  }
0x6: {  	_ = 	snop  }
0x7: {  	_ = 	snop  }
__scs_overlays_trampoline_lowered:
0x8: {  	[smem:$0x3FAE] =	sst s0  }
0x9: {  	[smem:$0x3FAF] =	sst s1  }
0xa: {  	[smem:$0x3FB0] =	sst s2  }
0xb: {  	[smem:$0x3FB1] =	sst s3  }
0xc: {  	[smem:$0x3FB2] =	sst s4  }
0xd: {  	[smem:$0x3FB3] =	sst s5  }
0xe: {  	[smem:$0x3FB4] =	sst s6  }
0xf: {  	[smem:$0x3FB5] =	sst s7  }
0x10: {  	[smem:$0x3FB6] =	sst s8  }
0x11: {  	[smem:$0x3FB7] =	sst s9;
	s0 =	simm.s32 @!p0 $0x0  }
0x12: {  	s1 =	sld [smem:$0x3F9D];
	s0 =	simm.s32 @p0 $0x1  }
0x13: {  	[smem:$0x3FB8] =	sst s0;
	s0 =	simm.s32 @!p1 $0x0  }
0x14: {  	s2 =	sld [smem:$0x3F9C];
	s0 =	simm.s32 @p1 $0x1  }
0x15: {  	[smem:$0x3FB9] =	sst s0;
	s0 =	simm.s32 @!p2 $0x0  }
0x16: {  	s3 =	sld [smem:$0x3FDB];
	s0 =	simm.s32 @p2 $0x1  }
0x17: {  	s4 =	simm.s32 $0x1BF5;
	[smem:$0x3FBB] =	sst s0  }
0x18: {  	s0 =	sld [smem:$0x3F9E];
	_ =	swait.ge [sflag:s4], $0x0  }
0x19: {  	s7 =	sld [smem:$0x3F9F]  }
0x1a: {  	s8 =	sadd.s32 $0xFFFFE003, lr  }
0x1b: {  	s9 =	sadd.s32 $0xFFFFFEF7, lr;
	s5 =	simm.s32 $0xFFFFFFFF;
	p2 =	slt.u32 s8, $0xFFFFF086  }
0x1c: {  	p1 =	slt.u32 s9, $0xF7A;
	s5 =	simm.s32 @!p2 $0x0  }
0x1d: {  	s5 =	simm.s32 @p1 $0x1;
	p0 =	seq.s32 s7, s2  }
0x1e: {  	s7 =	smul.u32 @!p0 $0xF7A, s2;
	p2 =	seq.s32 @!p0 s5, $0x0  }
0x1f: {  	s9 =	smul.u32 $0xF7A, s1;
	s8 =	simm.s32 @!p0 $0x1BF5;
	p2 =	por !p2, p0  }
0x20: {  	[sflag:s8] =	ssyncset.s32 @!p0 $0xFFFFF086;
	s6 =	sadd.s32 @!p0 s3, s7;
	s7 =	simm.s32 @!p0 $0x108  }
0x21: {  	s3 =	sadd.s32 s3, s9;
	s6 =	sadd.s32 @!p0 $0x88, s6;
	s7 =	simm.s32 @p2 $0x1082  }
0x22: {  	[simem:s7], [sflag:s8] =	dma.local @!p0 [hbm:s6], $0xF7A  }
0x23: {  	s9 =	sor.u32 $0xD0000000, s2;
	s6 =	simm.s32 $0x108;
	_ =	swait.ge @!p0 [sflag:s8], $0x0  }
0x24: {  	s3 =	sadd.s32 $0x88, s3;
	s6 =	simm.s32 @!p1 $0x1082;
	[sflag:s4] =	ssyncset.s32 $0xFFFFF086  }
0x25: {  	[simem:s6], [sflag:s4] =	dma.local [hbm:s3], $0xF7A  }
0x26: {  	[smem:$0x3F9F] =	sst s1;
	(tag) =	ssettag s2;
	_ =	strace s9  }
0x27: {  	s1 =	sld [smem:$0x3FAF]  }
0x28: {  	s2 =	sld [smem:$0x3FB0]  }
0x29: {  	s4 =	sld [smem:$0x3FB2]  }
0x2a: {  	p0 =	seq.s32 s5, $0x0;
	s5 =	sld [smem:$0x3FB3]  }
0x2b: {  	s6 =	sld [smem:$0x3FB4]  }
0x2c: {  	s7 =	sld [smem:$0x3FB5]  }
0x2d: {  	s3 =	simm.s32 $0x108;
	s8 =	sld [smem:$0x3FB6]  }
0x2e: {  	s3 =	simm.s32 @!p0 $0x1082;
	s9 =	sld [smem:$0x3FB7]  }
0x2f: {  	lr =	sadd.s32 s0, s3;
	s0 =	sld [smem:$0x3FAE]  }
0x30: {  	s3 =	sld [smem:$0x3FB1]  }
0x31: {  	[smem:$0x3FBA] =	sst s10  }
0x32: {  	s10 =	sld [smem:$0x3FB8];
	_ =	sdelay $0x3  }
0x33: {  	p0 =	seq.s32 s10, $0x1;
	s10 =	sld [smem:$0x3FBA];
	_ =	sdelay $0x3  }
0x34: {  	[smem:$0x3FBA] =	sst s10  }
0x35: {  	s10 =	sld [smem:$0x3FB9];
	_ =	sdelay $0x3  }
0x36: {  	p1 =	seq.s32 s10, $0x1;
	s10 =	sld [smem:$0x3FBA];
	_ =	sdelay $0x3  }
0x37: {  	[smem:$0x3FBA] =	sst s10  }
0x38: {  	s10 =	sld [smem:$0x3FBB]  }
0x39: {  	_ = 	snop;
	(pc) =	sbr.ind lr, $3  }
0x3a: {  	_ = 	snop  }
0x3b: {  	_ = 	snop  }
0x3c: {  	p2 =	seq.s32 s10, $0x1;
	s10 =	sld [smem:$0x3FBA]  }
0x3d: {  	_ =	shalt  }
0x3e: {  	_ =	shalt  }
0x3f: {  	_ =	shalt  }
0x40: {  	_ =	shalt  }
0x41: {  	_ =	shalt  }
0x42: {  	_ =	shalt  }
0x43: {  	_ =	shalt  }
0x44: {  	_ =	shalt  }
0x45: {  	_ =	shalt  }
0x46: {  	_ =	shalt  }
0x47: {  	_ =	shalt  }
0x48: {  	_ =	shalt  }
0x49: {  	_ =	shalt  }
0x4a: {  	_ =	shalt  }
0x4b: {  	_ =	shalt  }
0x4c: {  	_ =	shalt  }
0x4d: {  	_ =	shalt  }
0x4e: {  	_ =	shalt  }
0x4f: {  	_ =	shalt  }
0x50: {  	_ =	shalt  }
0x51: {  	_ =	shalt  }
0x52: {  	_ =	shalt  }
0x53: {  	_ =	shalt  }
0x54: {  	_ =	shalt  }
0x55: {  	_ =	shalt  }
0x56: {  	_ =	shalt  }
0x57: {  	_ =	shalt  }
0x58: {  	_ =	shalt  }
0x59: {  	_ =	shalt  }
0x5a: {  	_ =	shalt  }
0x5b: {  	_ =	shalt  }
0x5c: {  	_ =	shalt  }
0x5d: {  	_ =	shalt  }
0x5e: {  	_ =	shalt  }
0x5f: {  	_ =	shalt  }
0x60: {  	_ =	shalt  }
0x61: {  	_ =	shalt  }
0x62: {  	_ =	shalt  }
0x63: {  	_ =	shalt  }
0x64: {  	_ =	shalt  }
0x65: {  	_ =	shalt  }
0x66: {  	_ =	shalt  }
0x67: {  	_ =	shalt  }
0x68: {  	_ =	shalt  }
0x69: {  	_ =	shalt  }
0x6a: {  	_ =	shalt  }
0x6b: {  	_ =	shalt  }
0x6c: {  	_ =	shalt  }
0x6d: {  	_ =	shalt  }
0x6e: {  	_ =	shalt  }
0x6f: {  	_ =	shalt  }
0x70: {  	_ =	shalt  }
0x71: {  	_ =	shalt  }
0x72: {  	_ =	shalt  }
0x73: {  	_ =	shalt  }
0x74: {  	_ =	shalt  }
0x75: {  	_ =	shalt  }
0x76: {  	_ =	shalt  }
0x77: {  	_ =	shalt  }
0x78: {  	_ =	shalt  }
0x79: {  	_ =	shalt  }
0x7a: {  	_ =	shalt  }
0x7b: {  	_ =	shalt  }
0x7c: {  	_ =	shalt  }
0x7d: {  	_ =	shalt  }
0x7e: {  	_ =	shalt  }
0x7f: {  	_ =	shalt  }
0x80: {  	_ =	shalt  }
0x81: {  	_ =	shalt  }
0x82: {  	_ =	shalt  }
0x83: {  	_ =	shalt  }
0x84: {  	_ =	shalt  }
0x85: {  	_ =	shalt  }
0x86: {  	_ =	shalt  }
0x87: {  	_ =	shalt  }
.Lfunc_end0:
.L_simem_size_0:
called_computation_lowered:
.L_overlay_start_0:
0x88: {  	s2 =	sld [smem:$0x3FD9]  }
0x89: {  	s3 =	sld [smem:$0x3FFE];
	_ =	sdelay $0x1  }
0x8a: {  	s1 =	srdreg.scid  }
0x8b: {  	s0 =	sand.u32 $0x1, s1  }
0x8c: {  	s17 =	sshll.u32 s0, $0xA;
	s2 =	sadd.s32 s3, s2  }
0x8d: {  	s2 =	sadd.s32 s2, s17  }
0x8e: {  	[smem:$0x3FC6] =	sst s2  }
0x8f: {  	_ = 	snop  }
0x90: {  	s2 =	sld [smem:$0x3FC9]  }
0x91: {  	s18 =	sld [smem:$0x3FD0];
	(tm) =	ssettm $0x1  }
0x92: {  	s4 =	sld [smem:$0x3FFB];
	_ =	sdelay $0x3  }
0x93: {  	_ =	strace s4  }
0x94: {  	s4 =	sld [smem:$0x3FFC];
	_ =	sdelay $0x3  }
0x95: {  	_ =	strace s4  }
0x96: {  	s4 =	sld [smem:$0x3FFD];
	_ =	sdelay $0x3  }
0x97: {  	_ =	strace s4  }
0x98: {  	_ =	strace $0x8FFFFFFF  }
0x99: {  	s19 =	sld [smem:$0x3FDB];
	_ =	sdelay $0x1  }
0x9a: {  	s5 =	simm.s32 $_scs_section_size  }
0x9b: {  	s6 =	simm.s32 $_size__tile_overlayer_lowered;
	s7 =	simm.s32 $_tile_overlayer_lowered  }
0x9c: {  	s22 =	simm.s32 $0x1BFF;
	s21 =	sshll.u32 s7, $0x1;
	s4 =	sadd.s32 s5, s19  }
0x9d: {  	s8 =	simm.s32 $0x0;
	s20 =	sshll.u32 s6, $0x1;
	s6 =	sadd.s32 s21, s4  }
0x9e: {  	[timem:s8], [sflag:s22] =	dma.local [hbm:s6], s20  }
0x9f: {  	_ =	swait.ge [sflag:s22], s20  }
0xa0: {  	s5 =	ssub.s32 $0x0, s20;
	[sflag:s22] =	ssyncset.done $0x0  }
0xa1: {  	[sflag:s22] =	ssyncadd.s32 s5;
	_ =	sdelay $0x1  }
0xa2: {  	s23 =	simm.s32 $0x1B8B  }
0xa3: {  	_ =	swait.ge [sflag:s23], $0x1  }
0xa4: {  	[sflag:s23] =	ssyncset.done $0x0  }
0xa5: {  	s25 =	simm.s32 $0x1B8E;
	s24 =	sld [smem:$0x3FFE];
	[sflag:s23] =	ssyncadd.s32 $0xFFFFFFFF  }
0xa6: {  	s26 =	simm.s32 $execute0_lowered;
	[smem:$0x3FD2] =	sst s25  }
0xa7: {  	s6 =	sshll.u32 s26, $0x1;
	_ =	strace $0x80000046;
	[dreg:$0x1] =	wrdreg $0xFFFFFFFF  }
0xa8: {  	s28 =	simm.s32 $_size_execute0_lowered;
	s4 =	sadd.s32 s4, s6;
	[dreg:$0x0] =	wrdreg $0x0  }
0xa9: {  	s6 =	sshll.u32 s28, $0x1;
	[dreg:$0x2] =	wrdreg s4  }
0xaa: {  	[dreg:$0x3] =	wrdreg s6  }
0xab: {  	[dreg:$0x4] =	wrdreg $0xC0  }
0xac: {  	_ =	task [dreg:s8], $0x5FFFF  }
0xad: {  	[dreg:$0x1] =	wrdreg $0xFFFFFFFF  }
0xae: {  	[dreg:$0x0] =	wrdreg $0x60  }
0xaf: {  	[dreg:$0x2] =	wrdreg s2  }
0xb0: {  	[dreg:$0x3] =	wrdreg s24  }
0xb1: {  	[dreg:$0x4] =	wrdreg s18  }
0xb2: {  	[dreg:$0x5] =	wrdreg $0x9  }
0xb3: {  	_ =	task.clear_ibuf [dreg:s8], $0x6FFFF;
	_ =	strace $0x90000046  }
0xb4: {  	s29 =	simm.s32 $0x9;
	_ =	strace $0x80000048  }
0xb5: {  	_ =	swait.ge [sflag:s29], $0x1  }
0xb6: {  	[sflag:s29] =	ssyncadd.s32 $0xFFFFFFFF  }
0xb7: {  	_ =	strace $0x90000048  }
0xb8: {  	_ =	sfence  }
0xb9: {  	s30 =	sld [smem:$0x0];
	_ =	sdelay $0x2  }
0xba: {  	s31 =	sshll.u32 s1, $0xD;
	s1 =	sshrl.u32 s1, $0x2  }
0xbb: {  	s3 =	sand.u32 $0x4000, s31;
	s1 =	sadd.s32 s1, s30  }
0xbc: {  	s0 =	sor.u32 s3, s0;
	s1 =	sshll.u32 s1, $0x11  }
0xbd: {  	s0 =	sor.u32 s1, s0  }
0xbe: {  	s0 =	sadd.s32 $0x8F2B, s0  }
0xbf: {  	[sflag:s0] =	ssyncadd.remote.s32 $0x1  }
0xc0: {  	_ =	sfence.sel $0xFFFF  }
0xc1: {  	[dreg:$0x0] =	wrdreg $0xFFFFFFFF;
	(pc) =	sbr.abs _section_cstart, $3  }
0xc2: {  	[dreg:$0x1] =	wrdreg $0xFFFFFFFF  }
0xc3: {  	_ =	task.clear_ibuf [dreg:s8], $0x2FFFF;
	_ =	strace $0x9FFFFFFF  }
0xc4: {  	(tm) =	ssettm $0x7FFFFFFF  }
0xc5: {  	_ =	shalt  }
tec
execute0_lowered:
.L_overlay_start_1:
0x0: {  	(tag) =	ssettag $0x1  }
0x1: {  	s0 =	rddreg [dreg:$0x0];
	s1 =	srdreg.scid  }
0x2: {  	s2 =	stileid.u32;
	s3 =	rddreg [dreg:$0x2];
	s4 =	simm.s32 $0x0  }
0x3: {  	s16 =	simm.s32 $0x1900;
	s17 =	simm.s32 $0x4D00;
	s18 =	simm.s32 $0x8100  }
0x4: {  	s19 =	simm.s32 $0xB500;
	s20 =	simm.s32 $0x1;
	s1 =	sand.u32 $0x1, s1  }
0x5: {  	s21 =	simm.s32 $0x2;
	s2 =	sshll.u32 s2, $0x8;
	s5 =	sshll.u32 s1, $0x7  }
0x6: {  	s24 =	simm.s32 $0x3;
	s1 =	ssub.s32 $0x2, s1;
	s5 =	sor.u32 s5, s2  }
0x7: {  	s25 =	simm.s32 $0x4;
	s6 =	sshrl.u32 s1, $0x1;
	s2 =	sshll.u32 s5, $0x4  }
0x8: {  	[smem:$0x7FF] =	sst s4;
	s1 =	ssub.s32 s1, s6;
	s2 =	sadd.s32 s0, s2  }
0x9: {  	_ =	strace $0x80000047;
	s1 =	smax.u32 s1, $0x1;
	[dreg:$0x4] =	wrdreg s2  }
0xa: {  	s26 =	simm.s32 $0x14D00;
	s30 =	sadd.s32 $0x10, s2;
	[dreg:$0x8] =	wrdreg s1  }
0xb: {  	s28 =	simm.s32 $0x17F00;
	s31 =	sadd.s32 $0x20, s2;
	[dreg:$0x5] =	wrdreg s30  }
0xc: {  	s11 =	sadd.s32 $0x40, s0;
	s2 =	sadd.s32 $0x30, s2;
	[dreg:$0x6] =	wrdreg s31  }
0xd: {  	s12 =	sadd.s32 $0x50, s0;
	[dreg:$0x7] =	wrdreg s2;
	s2 =	simm.s32 $0x0  }
.LBB2_1:
0xe: {  	[dreg:$0x9] =	wrdreg s2  }
0xf: {  	s0 =	rddreg [dreg:$0x1];
	s15 =	simm.s32 $0x9  }
0x10: {  	[tilespmem:s4], [sflag:$0x9] =	stream.linear.gather [hbm4b:s0+s4], $0x1900, $0x38;
	[tilespmem:$0x1B100] =	vst v63  }
0x11: {  	_ =	swait.ge [sflag:s15], $0x1900  }
0x12: {  	s1 =	simm.s32 $0x80;
	[sflag:s15] =	ssyncset.done $0x0  }
0x13: {  	s23 =	simm.s32 $0x80000;
	s22 =	rddreg [dreg:$0x4];
	[sflag:s15] =	ssyncadd.s32 $0xFFFFE700  }
0x14: {  	[tilespmem:s16], [sflag:$0x1] =	stream.strided.gather [hbm4b:s22+s1], $0x3200, s23, s1, $0x38;
	[tilespmem:$0x1B100] =	vst v63  }
0x15: {  	s29 =	rddreg [dreg:$0x5]  }
0x16: {  	[tilespmem:s17], [sflag:$0x2] =	stream.strided.gather [hbm4b:s29+s1], $0x3200, s23, s1, $0x38;
	[tilespmem:$0x1B100] =	vst v63  }
0x17: {  	s30 =	rddreg [dreg:$0x6]  }
0x18: {  	[tilespmem:s18], [sflag:$0x3] =	stream.strided.gather [hbm4b:s30+s1], $0x3200, s23, s1, $0x38;
	[tilespmem:$0x1B100] =	vst v63  }
0x19: {  	s2 =	simm.s32 $0x0;
	s31 =	rddreg [dreg:$0x7]  }
0x1a: {  	[tilespmem:s19], [sflag:$0x4] =	stream.strided.gather [hbm4b:s31+s1], $0x3200, s23, s1, $0x38;
	[tilespmem:$0x1B100] =	vst v63  }
.LBB2_2:
0x1b: {  	_ =	swait.ge [sflag:s20], $0x3200  }
0x1c: {  	[sflag:s20] =	ssyncset.done $0x0  }
0x1d: {  	[sflag:s20] =	ssyncadd.s32 $0xFFFFCE00  }
0x1e: {  	_ =	swait.ge [sflag:s21], $0x3200  }
0x1f: {  	p1 =	seq.s32 s2, $0x0;
	[sflag:s21] =	ssyncset.done $0x0  }
0x20: {  	s1 =	simm.s32 @!p1 $0x5;
	[sflag:s21] =	ssyncadd.s32 $0xFFFFCE00  }
0x21: {  	_ =	swait.ge @!p1 [sflag:s1], $0x3200  }
0x22: {  	[sflag:s1] =	ssyncset.done @!p1 $0x0  }
0x23: {  	[sflag:s1] =	ssyncadd.s32 @!p1 $0xFFFFCE00;
	s1 =	simm.s32 @!p1 $0x6  }
0x24: {  	_ =	swait.ge @!p1 [sflag:s1], $0x3200  }
0x25: {  	[sflag:s1] =	ssyncset.done @!p1 $0x0  }
0x26: {  	s6 =	simm.s32 $0x80;
	[sflag:s1] =	ssyncadd.s32 @!p1 $0xFFFFCE00  }
0x27: {  	v0 =	vld [tilespmem:s6+$0x70]  }
0x28: {  	v1 =	vld [tilespmem:s6+$0xFFFFFF90]  }
0x29: {  	v2 =	vld [tilespmem:s6+$0xFFFFFFA0]  }
0x2a: {  	v3 =	vld [tilespmem:s6+$0xFFFFFFB0]  }
0x2b: {  	v4 =	vld [tilespmem:s6+$0xFFFFFFC0]  }
0x2c: {  	v5 =	vld [tilespmem:s6+$0xFFFFFFD0]  }
0x2d: {  	v7 =	vld [tilespmem:s6+$0xFFFFFFE0]  }
0x2e: {  	v8 =	vld [tilespmem:s6+$0xFFFFFFF0]  }
0x2f: {  	v9 =	vld [tilespmem:s6+$0x0]  }
0x30: {  	v10 =	vld [tilespmem:s6+$0x10]  }
0x31: {  	v12 =	vld [tilespmem:s6+$0x20]  }
0x32: {  	v13 =	vld [tilespmem:s6+$0x30];
	v6 =	vunpack.i.l.s16.s32 v0  }
0x33: {  	v15 =	vld [tilespmem:s6+$0x40];
	v14 =	vunpack.i.l.s16.s32 v1  }
0x34: {  	v17 =	vld [tilespmem:s6+$0x50];
	v16 =	vunpack.i.l.s16.s32 v2  }
0x35: {  	v21 =	vld [tilespmem:s6+$0xFFFFFF80];
	v18 =	vunpack.i.l.s16.s32 v3  }
0x36: {  	v19 =	vld [tilespmem:s6+$0x60];
	v20 =	vunpack.i.l.s16.s32 v4  }
0x37: {  	v57 =	vunpack.i.l.s16.s32 v5;
	v11 =	vld.idx.msk [tilespmem:v6+s16+$0x0], $0xffff  }
0x38: {  	v22 =	vunpack.i.l.s16.s32 v7;
	v23 =	vld.idx.msk [tilespmem:v14+s16+$0x0], $0xffff  }
0x39: {  	v25 =	vunpack.i.l.s16.s32 v8;
	v24 =	vld.idx.msk [tilespmem:v16+s16+$0x0], $0xffff  }
0x3a: {  	v27 =	vunpack.i.l.s16.s32 v21;
	v26 =	vld.idx.msk [tilespmem:v18+s16+$0x0], $0xffff  }
0x3b: {  	v29 =	vunpack.i.l.s16.s32 v9;
	v28 =	vld.idx.msk [tilespmem:v20+s16+$0x0], $0xffff  }
0x3c: {  	s8 =	simm.s32 $0xE9F0;
	v31 =	vunpack.i.l.s16.s32 v10;
	v30 =	vld.idx.msk [tilespmem:v57+s16+$0x0], $0xffff  }
0x3d: {  	v33 =	vunpack.i.l.s16.s32 v13;
	v32 =	vld.idx.msk [tilespmem:v22+s16+$0x0], $0xffff;
	[tilespmem:s8+$0xF0] =	vst v11  }
0x3e: {  	v60 =	vunpack.i.l.s16.s32 v15;
	v59 =	vld.idx.msk [tilespmem:v25+s16+$0x0], $0xffff;
	[tilespmem:s8+$0xFFFFFF30] =	vst v23  }
0x3f: {  	v35 =	vunpack.i.l.s16.s32 v17;
	v34 =	vld.idx.msk [tilespmem:v27+s16+$0x0], $0xffff;
	[tilespmem:s8+$0xFFFFFF50] =	vst v24  }
0x40: {  	v36 =	vunpack.i.l.s16.s32 v19;
	v61 =	vld.idx.msk [tilespmem:v29+s16+$0x0], $0xffff;
	[tilespmem:s8+$0xFFFFFF70] =	vst v26  }
0x41: {  	v62 =	vld.idx.msk [tilespmem:v31+s16+$0x0], $0xffff;
	[tilespmem:s8+$0xFFFFFF90] =	vst v28  }
0x42: {  	v37 =	vld.idx.msk [tilespmem:v33+s16+$0x0], $0xffff;
	[tilespmem:s8+$0xFFFFFFB0] =	vst v30  }
0x43: {  	v40 =	vld.idx.msk [tilespmem:v60+s16+$0x0], $0xffff;
	[tilespmem:s8+$0xFFFFFFD0] =	vst v32  }
0x44: {  	v41 =	vld.idx.msk [tilespmem:v35+s16+$0x0], $0xffff;
	[tilespmem:s8+$0xFFFFFFF0] =	vst v59  }
0x45: {  	v42 =	vld.idx.msk [tilespmem:v36+s16+$0x0], $0xffff;
	[tilespmem:s8+$0xFFFFFF10] =	vst v34  }
0x46: {  	[tilespmem:s8+$0x10] =	vst v61;
	v6 =	vld.idx.msk [tilespmem:v6+s17+$0x0], $0xffff  }
0x47: {  	[tilespmem:s8+$0x30] =	vst v62;
	v27 =	vld.idx.msk [tilespmem:v27+s17+$0x0], $0xffff  }
0x48: {  	v0 =	vunpack.i.u.s16.s32 v0;
	[tilespmem:s8+$0x70] =	vst v37;
	v14 =	vld.idx.msk [tilespmem:v14+s17+$0x0], $0xffff  }
0x49: {  	[tilespmem:s8+$0x90] =	vst v40;
	v16 =	vld.idx.msk [tilespmem:v16+s17+$0x0], $0xffff  }
0x4a: {  	[tilespmem:s8+$0xB0] =	vst v41;
	v43 =	vld.idx.msk [tilespmem:v20+s17+$0x0], $0xffff  }
0x4b: {  	s9 =	simm.s32 $0x11BF0;
	[tilespmem:s8+$0xD0] =	vst v42;
	v11 =	vld.idx.msk [tilespmem:v57+s17+$0x0], $0xffff  }
0x4c: {  	v44 =	vld.idx.msk [tilespmem:v22+s17+$0x0], $0xffff;
	[tilespmem:s9+$0xF0] =	vst v6  }
0x4d: {  	[tilespmem:s9+$0xFFFFFF10] =	vst v27;
	v58 =	vld.idx.msk [tilespmem:v0+s16+$0x0], $0xffff  }
0x4e: {  	v45 =	vld.idx.msk [tilespmem:v25+s17+$0x0], $0xffff;
	[tilespmem:s9+$0xFFFFFF30] =	vst v14  }
0x4f: {  	v46 =	vld.idx.msk [tilespmem:v29+s17+$0x0], $0xffff;
	[tilespmem:s9+$0xFFFFFF50] =	vst v16  }
0x50: {  	s10 =	simm.s32 $0x1E0;
	v21 =	vunpack.i.u.s16.s32 v21;
	v47 =	vld.idx.msk [tilespmem:v33+s17+$0x0], $0xffff;
	[tilespmem:s9+$0xFFFFFF90] =	vst v43  }
0x51: {  	s7 =	sor.u32 $0x70, s10;
	v48 =	vld.idx.msk [tilespmem:v60+s17+$0x0], $0xffff;
	v6 =	vunpack.i.l.s16.s32 v12;
	[tilespmem:s9+$0xFFFFFFB0] =	vst v11  }
0x52: {  	v2 =	vunpack.i.u.s16.s32 v2;
	v49 =	vld.idx.msk [tilespmem:v35+s17+$0x0], $0xffff;
	[tilespmem:s7+$0xE900] =	vst v58  }
0x53: {  	[tilespmem:s9+$0xFFFFFFD0] =	vst v44;
	v0 =	vld.idx.msk [tilespmem:v0+s17+$0x0], $0xffff  }
0x54: {  	v4 =	vunpack.i.u.s16.s32 v4;
	v50 =	vld.idx.msk [tilespmem:v36+s17+$0x0], $0xffff;
	[tilespmem:s9+$0xFFFFFFF0] =	vst v45  }
0x55: {  	v5 =	vunpack.i.u.s16.s32 v5;
	[tilespmem:s9+$0x10] =	vst v46;
	v51 =	vld.idx.msk [tilespmem:v21+s16+$0x0], $0xffff  }
0x56: {  	v9 =	vunpack.i.u.s16.s32 v9;
	[tilespmem:s9+$0x70] =	vst v47;
	v63 =	vld.idx.msk [tilespmem:v6+s16+$0x0], $0xffff  }
0x57: {  	[tilespmem:s9+$0x90] =	vst v48;
	v52 =	vld.idx.msk [tilespmem:v2+s16+$0x0], $0xffff  }
0x58: {  	[tilespmem:s7+$0x11B00] =	vst v0;
	v0 =	vld.idx.msk [tilespmem:v18+s17+$0x0], $0xffff  }
0x59: {  	v13 =	vunpack.i.u.s16.s32 v13;
	[tilespmem:s9+$0xB0] =	vst v49;
	v54 =	vld.idx.msk [tilespmem:v4+s16+$0x0], $0xffff  }
0x5a: {  	v15 =	vunpack.i.u.s16.s32 v15;
	[tilespmem:s9+$0xD0] =	vst v50;
	v55 =	vld.idx.msk [tilespmem:v5+s16+$0x0], $0xffff  }
0x5b: {  	v19 =	vunpack.i.u.s16.s32 v19;
	v57 =	vld.idx.msk [tilespmem:v9+s16+$0x0], $0xffff;
	[tilespmem:s8+$0x50] =	vst v63  }
0x5c: {  	[tilespmem:s8+$0xFFFFFF20] =	vst v51;
	v6 =	vld.idx.msk [tilespmem:v6+s17+$0x0], $0xffff  }
0x5d: {  	v1 =	vunpack.i.u.s16.s32 v1;
	[tilespmem:s9+$0xFFFFFF70] =	vst v0;
	v0 =	vld.idx.msk [tilespmem:v31+s17+$0x0], $0xffff  }
0x5e: {  	v60 =	vld.idx.msk [tilespmem:v13+s16+$0x0], $0xffff;
	[tilespmem:s8+$0xFFFFFF60] =	vst v52  }
0x5f: {  	v61 =	vld.idx.msk [tilespmem:v15+s16+$0x0], $0xffff;
	[tilespmem:s8+$0xFFFFFFA0] =	vst v54  }
0x60: {  	v62 =	vld.idx.msk [tilespmem:v19+s16+$0x0], $0xffff;
	[tilespmem:s8+$0xFFFFFFC0] =	vst v55  }
0x61: {  	v20 =	vld.idx.msk [tilespmem:v21+s17+$0x0], $0xffff;
	[tilespmem:s9+$0x50] =	vst v6  }
0x62: {  	s14 =	simm.s32 $0x160;
	v6 =	vunpack.i.u.s16.s32 v8;
	[tilespmem:s9+$0x30] =	vst v0;
	v0 =	vunpack.i.u.s16.s32 v7;
	v7 =	vld.idx.msk [tilespmem:v1+s16+$0x0], $0xffff  }
0x63: {  	s31 =	sor.u32 $0x70, s14;
	[tilespmem:s8+$0x20] =	vst v57;
	v2 =	vld.idx.msk [tilespmem:v2+s17+$0x0], $0xffff  }
0x64: {  	s22 =	simm.s32 $0x1C0;
	v3 =	vunpack.i.u.s16.s32 v3;
	[tilespmem:s31+$0xE900] =	vst v60;
	v4 =	vld.idx.msk [tilespmem:v4+s17+$0x0], $0xffff  }
0x65: {  	s1 =	sor.u32 $0x50, s22;
	v10 =	vunpack.i.u.s16.s32 v10;
	[tilespmem:s8+$0xA0] =	vst v61;
	v5 =	vld.idx.msk [tilespmem:v5+s17+$0x0], $0xffff  }
0x66: {  	[tilespmem:s1+$0xE900] =	vst v62;
	v63 =	vld.idx.msk [tilespmem:v9+s17+$0x0], $0xffff  }
0x67: {  	v17 =	vunpack.i.u.s16.s32 v17;
	[tilespmem:s8+$0xFFFFFF40] =	vst v7;
	v7 =	vld.idx.msk [tilespmem:v6+s16+$0x0], $0xffff  }
0x68: {  	v12 =	vunpack.i.u.s16.s32 v12;
	[tilespmem:s9+$0xFFFFFF60] =	vst v2;
	v2 =	vld.idx.msk [tilespmem:v13+s17+$0x0], $0xffff  }
0x69: {  	[tilespmem:s9+$0xFFFFFF20] =	vst v20;
	v53 =	vld.idx.msk [tilespmem:v3+s16+$0x0], $0xffff  }
0x6a: {  	[tilespmem:s9+$0xFFFFFFA0] =	vst v4;
	v58 =	vld.idx.msk [tilespmem:v10+s16+$0x0], $0xffff  }
0x6b: {  	[tilespmem:s9+$0xFFFFFFC0] =	vst v5;
	v56 =	vld.idx.msk [tilespmem:v0+s16+$0x0], $0xffff  }
0x6c: {  	[tilespmem:s8+$0x0] =	vst v7;
	v7 =	vld.idx.msk [tilespmem:v17+s16+$0x0], $0xffff  }
0x6d: {  	s13 =	simm.s32 $0x120;
	[tilespmem:s9+$0x20] =	vst v63;
	v59 =	vld.idx.msk [tilespmem:v12+s16+$0x0], $0xffff  }
0x6e: {  	s29 =	sor.u32 $0x30, s13;
	[tilespmem:s8+$0xFFFFFF80] =	vst v53;
	v1 =	vld.idx.msk [tilespmem:v1+s17+$0x0], $0xffff  }
0x6f: {  	s15 =	simm.s32 $0x1A0;
	v3 =	vld.idx.msk [tilespmem:v3+s17+$0x0], $0xffff;
	[tilespmem:s29+$0xE900] =	vst v58  }
0x70: {  	s14 =	sor.u32 $0x30, s15;
	s6 =	simm.s32 $0x140;
	[tilespmem:s8+$0xFFFFFFE0] =	vst v56;
	v6 =	vld.idx.msk [tilespmem:v6+s17+$0x0], $0xffff  }
0x71: {  	s30 =	sor.u32 $0x50, s6;
	[tilespmem:s14+$0xE900] =	vst v7;
	v7 =	vld.idx.msk [tilespmem:v0+s17+$0x0], $0xffff  }
0x72: {  	[tilespmem:s30+$0xE900] =	vst v59;
	v0 =	vld.idx.msk [tilespmem:v10+s17+$0x0], $0xffff  }
0x73: {  	[tilespmem:s9+$0xFFFFFF40] =	vst v1;
	v1 =	vld.idx.msk [tilespmem:v12+s17+$0x0], $0xffff  }
0x74: {  	v5 =	vld.idx.msk [tilespmem:v19+s17+$0x0], $0xffff;
	[tilespmem:s9+$0xFFFFFF80] =	vst v3  }
0x75: {  	s23 =	sshll.u32 s2, $0x2;
	v3 =	vld.idx.msk [tilespmem:v15+s17+$0x0], $0xffff;
	[tilespmem:s9+$0x0] =	vst v6  }
0x76: {  	s13 =	simm.s32 $0x180;
	s6 =	simm.s32 $0x0;
	s7 =	sor.u32 s5, s23;
	v4 =	vld.idx.msk [tilespmem:v17+s17+$0x0], $0xffff;
	[tilespmem:s9+$0xFFFFFFE0] =	vst v7  }
.LBB2_3:
0x77: {  	v13 =	vld [tilespmem:s13+$0x70];
	s6 =	sadd.s32 $0x100, s6;
	[tilespmem:s29+$0x11B00] =	vst v0  }
0x78: {  	v6 =	vld [tilespmem:s13+$0xFFFFFF90];
	p0 =	slt.u32 s6, $0x1800;
	[tilespmem:s30+$0x11B00] =	vst v1  }
0x79: {  	v7 =	vld [tilespmem:s13+$0xFFFFFFA0];
	[tilespmem:s31+$0x11B00] =	vst v2  }
0x7a: {  	v8 =	vld [tilespmem:s13+$0xFFFFFFB0];
	[tilespmem:s9+$0xA0] =	vst v3  }
0x7b: {  	v9 =	vld [tilespmem:s13+$0xFFFFFFC0];
	[tilespmem:s14+$0x11B00] =	vst v4  }
0x7c: {  	v10 =	vld [tilespmem:s13+$0xFFFFFFD0];
	v11 =	vunpack.i.l.s16.s32 v13;
	[tilespmem:s1+$0x11B00] =	vst v5  }
0x7d: {  	v0 =	vunpack.i.u.s16.s32 v6;
	v15 =	vunpack.i.l.s16.s32 v6;
	v6 =	vld [tilespmem:s13+$0xFFFFFFE0]  }
0x7e: {  	v1 =	vunpack.i.u.s16.s32 v7;
	v16 =	vunpack.i.l.s16.s32 v7;
	v7 =	vld [tilespmem:s13+$0xFFFFFFF0]  }
0x7f: {  	v2 =	vunpack.i.u.s16.s32 v8;
	v17 =	vunpack.i.l.s16.s32 v8;
	v8 =	vld [tilespmem:s13+$0x0]  }
0x80: {  	v3 =	vunpack.i.u.s16.s32 v9;
	v18 =	vunpack.i.l.s16.s32 v9;
	v9 =	vld [tilespmem:s13+$0x10]  }
0x81: {  	v4 =	vunpack.i.u.s16.s32 v10;
	v19 =	vunpack.i.l.s16.s32 v10;
	v10 =	vld.idx.msk [tilespmem:v11+s16+$0x0], $0xffff  }
0x82: {  	v5 =	vunpack.i.u.s16.s32 v6;
	v20 =	vunpack.i.l.s16.s32 v6;
	v12 =	vld [tilespmem:s13+$0x20]  }
0x83: {  	v6 =	vunpack.i.u.s16.s32 v7;
	v21 =	vunpack.i.l.s16.s32 v7;
	v14 =	vld [tilespmem:s13+$0x30]  }
0x84: {  	v7 =	vunpack.i.u.s16.s32 v8;
	v22 =	vunpack.i.l.s16.s32 v8;
	v23 =	vld [tilespmem:s13+$0x40]  }
0x85: {  	v8 =	vunpack.i.u.s16.s32 v9;
	v24 =	vunpack.i.l.s16.s32 v9;
	v25 =	vld [tilespmem:s13+$0x50]  }
0x86: {  	s8 =	sadd.s32 $0x200, s8;
	v26 =	vld [tilespmem:s13+$0x60]  }
0x87: {  	v27 =	vld [tilespmem:s13+$0xFFFFFF80];
	v9 =	vunpack.i.u.s16.s32 v12;
	v28 =	vunpack.i.l.s16.s32 v12;
	[tilespmem:s8+$0xF0] =	vst v10  }
0x88: {  	v10 =	vunpack.i.u.s16.s32 v14;
	v29 =	vunpack.i.l.s16.s32 v14;
	v30 =	vld.idx.msk [tilespmem:v11+s17+$0x0], $0xffff  }
0x89: {  	v31 =	vld.idx.msk [tilespmem:v15+s16+$0x0], $0xffff;
	v11 =	vunpack.i.u.s16.s32 v23;
	v23 =	vunpack.i.l.s16.s32 v23  }
0x8a: {  	v33 =	vunpack.i.u.s16.s32 v13;
	v32 =	vld.idx.msk [tilespmem:v16+s16+$0x0], $0xffff;
	v12 =	vunpack.i.u.s16.s32 v25;
	v25 =	vunpack.i.l.s16.s32 v25  }
0x8b: {  	v34 =	vld.idx.msk [tilespmem:v17+s16+$0x0], $0xffff;
	v13 =	vunpack.i.u.s16.s32 v26;
	v26 =	vunpack.i.l.s16.s32 v26  }
0x8c: {  	v14 =	vunpack.i.u.s16.s32 v27;
	v27 =	vunpack.i.l.s16.s32 v27;
	v35 =	vld.idx.msk [tilespmem:v18+s16+$0x0], $0xffff  }
0x8d: {  	s9 =	sadd.s32 $0x200, s9;
	v36 =	vld.idx.msk [tilespmem:v19+s16+$0x0], $0xffff  }
0x8e: {  	v37 =	vld.idx.msk [tilespmem:v20+s16+$0x0], $0xffff;
	[tilespmem:s9+$0xF0] =	vst v30  }
0x8f: {  	[tilespmem:s8+$0xFFFFFF30] =	vst v31;
	v30 =	vld.idx.msk [tilespmem:v33+s16+$0x0], $0xffff  }
0x90: {  	[tilespmem:s8+$0xFFFFFF50] =	vst v32;
	v31 =	vld.idx.msk [tilespmem:v21+s16+$0x0], $0xffff  }
0x91: {  	v32 =	vld.idx.msk [tilespmem:v27+s16+$0x0], $0xffff;
	[tilespmem:s8+$0xFFFFFF70] =	vst v34  }
0x92: {  	[tilespmem:s8+$0xFFFFFF90] =	vst v35;
	v34 =	vld.idx.msk [tilespmem:v22+s16+$0x0], $0xffff  }
0x93: {  	s10 =	sadd.s32 $0x200, s10;
	[tilespmem:s8+$0xFFFFFFB0] =	vst v36;
	v35 =	vld.idx.msk [tilespmem:v24+s16+$0x0], $0xffff  }
0x94: {  	s15 =	sor.u32 $0x70, s10;
	s14 =	sadd.s32 $0xFFFFFF60, s10;
	s1 =	sadd.s32 $0xFFFFFF40, s10;
	[tilespmem:s8+$0xFFFFFFD0] =	vst v37;
	v36 =	vld.idx.msk [tilespmem:v28+s16+$0x0], $0xffff  }
0x95: {  	s0 =	sadd.s32 $0xFFFFFFC0, s10;
	s22 =	sadd.s32 $0xFFFFFFE0, s10;
	s31 =	sadd.s32 $0xFFFFFF80, s10;
	v37 =	vld.idx.msk [tilespmem:v29+s16+$0x0], $0xffff;
	[tilespmem:s15+$0xE900] =	vst v30  }
0x96: {  	s31 =	sor.u32 $0x70, s31;
	s30 =	sor.u32 $0x50, s14;
	s29 =	sor.u32 $0x30, s1;
	[tilespmem:s8+$0xFFFFFFF0] =	vst v31;
	v30 =	vld.idx.msk [tilespmem:v33+s17+$0x0], $0xffff  }
0x97: {  	s14 =	sor.u32 $0x30, s0;
	s1 =	sor.u32 $0x50, s22;
	[tilespmem:s8+$0xFFFFFF10] =	vst v32;
	v31 =	vld.idx.msk [tilespmem:v23+s16+$0x0], $0xffff  }
0x98: {  	[tilespmem:s8+$0x10] =	vst v34;
	v32 =	vld.idx.msk [tilespmem:v25+s16+$0x0], $0xffff  }
0x99: {  	[tilespmem:s8+$0x30] =	vst v35;
	v33 =	vld.idx.msk [tilespmem:v26+s16+$0x0], $0xffff  }
0x9a: {  	v27 =	vld.idx.msk [tilespmem:v27+s17+$0x0], $0xffff;
	[tilespmem:s8+$0x50] =	vst v36  }
0x9b: {  	v15 =	vld.idx.msk [tilespmem:v15+s17+$0x0], $0xffff;
	[tilespmem:s8+$0x70] =	vst v37  }
0x9c: {  	v16 =	vld.idx.msk [tilespmem:v16+s17+$0x0], $0xffff;
	[tilespmem:s15+$0x11B00] =	vst v30  }
0x9d: {  	v17 =	vld.idx.msk [tilespmem:v17+s17+$0x0], $0xffff;
	[tilespmem:s8+$0x90] =	vst v31  }
0x9e: {  	v18 =	vld.idx.msk [tilespmem:v18+s17+$0x0], $0xffff;
	[tilespmem:s8+$0xB0] =	vst v32  }
0x9f: {  	v19 =	vld.idx.msk [tilespmem:v19+s17+$0x0], $0xffff;
	[tilespmem:s8+$0xD0] =	vst v33  }
0xa0: {  	[tilespmem:s9+$0xFFFFFF10] =	vst v27;
	v20 =	vld.idx.msk [tilespmem:v20+s17+$0x0], $0xffff  }
0xa1: {  	[tilespmem:s9+$0xFFFFFF30] =	vst v15;
	v15 =	vld.idx.msk [tilespmem:v21+s17+$0x0], $0xffff  }
0xa2: {  	[tilespmem:s9+$0xFFFFFF50] =	vst v16;
	v16 =	vld.idx.msk [tilespmem:v22+s17+$0x0], $0xffff  }
0xa3: {  	[tilespmem:s9+$0xFFFFFF70] =	vst v17;
	v17 =	vld.idx.msk [tilespmem:v24+s17+$0x0], $0xffff  }
0xa4: {  	[tilespmem:s9+$0xFFFFFF90] =	vst v18;
	v18 =	vld.idx.msk [tilespmem:v28+s17+$0x0], $0xffff  }
0xa5: {  	[tilespmem:s9+$0xFFFFFFB0] =	vst v19;
	v19 =	vld.idx.msk [tilespmem:v29+s17+$0x0], $0xffff  }
0xa6: {  	[tilespmem:s9+$0xFFFFFFD0] =	vst v20;
	v20 =	vld.idx.msk [tilespmem:v23+s17+$0x0], $0xffff  }
0xa7: {  	[tilespmem:s9+$0xFFFFFFF0] =	vst v15;
	v15 =	vld.idx.msk [tilespmem:v25+s17+$0x0], $0xffff  }
0xa8: {  	[tilespmem:s9+$0x10] =	vst v16;
	v16 =	vld.idx.msk [tilespmem:v26+s17+$0x0], $0xffff  }
0xa9: {  	v21 =	vld.idx.msk [tilespmem:v14+s16+$0x0], $0xffff;
	[tilespmem:s9+$0x30] =	vst v17  }
0xaa: {  	v17 =	vld.idx.msk [tilespmem:v0+s16+$0x0], $0xffff;
	[tilespmem:s9+$0x50] =	vst v18  }
0xab: {  	v18 =	vld.idx.msk [tilespmem:v1+s16+$0x0], $0xffff;
	[tilespmem:s9+$0x70] =	vst v19  }
0xac: {  	v19 =	vld.idx.msk [tilespmem:v2+s16+$0x0], $0xffff;
	[tilespmem:s9+$0x90] =	vst v20  }
0xad: {  	v20 =	vld.idx.msk [tilespmem:v3+s16+$0x0], $0xffff;
	[tilespmem:s9+$0xB0] =	vst v15  }
0xae: {  	v15 =	vld.idx.msk [tilespmem:v4+s16+$0x0], $0xffff;
	[tilespmem:s9+$0xD0] =	vst v16  }
0xaf: {  	[tilespmem:s8+$0xFFFFFF20] =	vst v21;
	v16 =	vld.idx.msk [tilespmem:v5+s16+$0x0], $0xffff  }
0xb0: {  	[tilespmem:s8+$0xFFFFFF40] =	vst v17;
	v17 =	vld.idx.msk [tilespmem:v6+s16+$0x0], $0xffff  }
0xb1: {  	[tilespmem:s8+$0xFFFFFF60] =	vst v18;
	v18 =	vld.idx.msk [tilespmem:v7+s16+$0x0], $0xffff  }
0xb2: {  	[tilespmem:s8+$0xFFFFFF80] =	vst v19;
	v19 =	vld.idx.msk [tilespmem:v8+s16+$0x0], $0xffff  }
0xb3: {  	[tilespmem:s8+$0xFFFFFFA0] =	vst v20;
	v20 =	vld.idx.msk [tilespmem:v9+s16+$0x0], $0xffff  }
0xb4: {  	[tilespmem:s8+$0xFFFFFFC0] =	vst v15;
	v15 =	vld.idx.msk [tilespmem:v10+s16+$0x0], $0xffff  }
0xb5: {  	[tilespmem:s8+$0xFFFFFFE0] =	vst v16;
	v16 =	vld.idx.msk [tilespmem:v11+s16+$0x0], $0xffff  }
0xb6: {  	[tilespmem:s8+$0x0] =	vst v17;
	v17 =	vld.idx.msk [tilespmem:v12+s16+$0x0], $0xffff  }
0xb7: {  	[tilespmem:s8+$0x20] =	vst v18;
	v18 =	vld.idx.msk [tilespmem:v13+s16+$0x0], $0xffff  }
0xb8: {  	v14 =	vld.idx.msk [tilespmem:v14+s17+$0x0], $0xffff;
	[tilespmem:s29+$0xE900] =	vst v19  }
0xb9: {  	v0 =	vld.idx.msk [tilespmem:v0+s17+$0x0], $0xffff;
	[tilespmem:s30+$0xE900] =	vst v20  }
0xba: {  	v1 =	vld.idx.msk [tilespmem:v1+s17+$0x0], $0xffff;
	[tilespmem:s31+$0xE900] =	vst v15  }
0xbb: {  	v2 =	vld.idx.msk [tilespmem:v2+s17+$0x0], $0xffff;
	[tilespmem:s8+$0xA0] =	vst v16  }
0xbc: {  	v3 =	vld.idx.msk [tilespmem:v3+s17+$0x0], $0xffff;
	[tilespmem:s14+$0xE900] =	vst v17  }
0xbd: {  	v4 =	vld.idx.msk [tilespmem:v4+s17+$0x0], $0xffff;
	[tilespmem:s1+$0xE900] =	vst v18  }
0xbe: {  	[tilespmem:s9+$0xFFFFFF20] =	vst v14;
	v5 =	vld.idx.msk [tilespmem:v5+s17+$0x0], $0xffff  }
0xbf: {  	[tilespmem:s9+$0xFFFFFF40] =	vst v0;
	v6 =	vld.idx.msk [tilespmem:v6+s17+$0x0], $0xffff  }
0xc0: {  	[tilespmem:s9+$0xFFFFFF60] =	vst v1;
	v7 =	vld.idx.msk [tilespmem:v7+s17+$0x0], $0xffff  }
0xc1: {  	[tilespmem:s9+$0xFFFFFF80] =	vst v2;
	v0 =	vld.idx.msk [tilespmem:v8+s17+$0x0], $0xffff  }
.Ltmp0:
0xc2: {  	[tilespmem:s9+$0xFFFFFFA0] =	vst v3;
	v1 =	vld.idx.msk [tilespmem:v9+s17+$0x0], $0xffff;
	(pc) =	sbr.rel @p0 .LBB2_3-.Ltmp0, $4  }
0xc3: {  	[tilespmem:s9+$0xFFFFFFC0] =	vst v4;
	v2 =	vld.idx.msk [tilespmem:v10+s17+$0x0], $0xffff  }
0xc4: {  	[tilespmem:s9+$0xFFFFFFE0] =	vst v5;
	v3 =	vld.idx.msk [tilespmem:v11+s17+$0x0], $0xffff  }
0xc5: {  	[tilespmem:s9+$0x0] =	vst v6;
	v4 =	vld.idx.msk [tilespmem:v12+s17+$0x0], $0xffff  }
0xc6: {  	s13 =	sadd.s32 $0x100, s13;
	[tilespmem:s9+$0x20] =	vst v7;
	v5 =	vld.idx.msk [tilespmem:v13+s17+$0x0], $0xffff  }
0xc7: {  	[tilespmem:s29+$0x11B00] =	vst v0  }
0xc8: {  	[tilespmem:s30+$0x11B00] =	vst v1  }
0xc9: {  	p0 =	seq.s32 s2, $0x1F;
	[tilespmem:s31+$0x11B00] =	vst v2  }
0xca: {  	s0 =	sshll.u32 @!p0 s7, $0x4;
	[tilespmem:s9+$0xA0] =	vst v3  }
0xcb: {  	s10 =	smul.u32 $0x640, s7;
	s8 =	simm.s32 @!p0 $0x80000;
	s6 =	sadd.s32 @!p0 s11, s0;
	[tilespmem:s14+$0x11B00] =	vst v4  }
0xcc: {  	s9 =	simm.s32 @!p0 $0x1900;
	s14 =	smul.u32 $0x3200, s7;
	[tilespmem:s1+$0x11B00] =	vst v5;
	s1 =	simm.s32 @!p0 $0x80  }
0xcd: {  	[tilespmem:s9], [sflag:$0x1] =	stream.strided.gather @!p0 [hbm4b:s6+s1], $0x3200, s8, s1, $0x38;
	[tilespmem:$0x1B100] =	vst v63  }
0xce: {  	s0 =	sadd.s32 @!p0 s12, s0;
	s6 =	simm.s32 @!p0 $0x4D00;
	s22 =	sshrl.u32 s14, $0x3  }
0xcf: {  	[tilespmem:s6], [sflag:$0x2] =	stream.strided.gather @!p0 [hbm4b:s0+s1], $0x3200, s8, s1, $0x38;
	[tilespmem:$0x1B100] =	vst v63  }
0xd0: {  	s15 =	simm.s32 $0xE900;
	s13 =	sadd.s32 s3, s10;
	s0 =	sadd.s32 s3, s22  }
0xd1: {  	[hbm4b:s13+s4] =	stream.linear.scatter [tilespmem:s15], [sflag:$0x5], $0x3200, $0x38;
	[tilespmem:$0x1B100] =	vst v63  }
0xd2: {  	s23 =	simm.s32 $0x11B00;
	s0 =	sadd.s32 $0x640, s0  }
0xd3: {  	[hbm4b:s0+s4] =	stream.linear.scatter [tilespmem:s23], [sflag:$0x6], $0x3200, $0x38;
	[tilespmem:$0x1B100] =	vst v63  }
0xd4: {  	_ =	swait.ge [sflag:s24], $0x3200  }
0xd5: {  	[sflag:s24] =	ssyncset.done $0x0  }
0xd6: {  	[sflag:s24] =	ssyncadd.s32 $0xFFFFCE00  }
0xd7: {  	_ =	swait.ge [sflag:s25], $0x3200  }
0xd8: {  	[sflag:s25] =	ssyncset.done $0x0  }
0xd9: {  	s0 =	simm.s32 @!p1 $0x7;
	[sflag:s25] =	ssyncadd.s32 $0xFFFFCE00  }
0xda: {  	_ =	swait.ge @!p1 [sflag:s0], $0x3200  }
0xdb: {  	[sflag:s0] =	ssyncset.done @!p1 $0x0  }
0xdc: {  	[sflag:s0] =	ssyncadd.s32 @!p1 $0xFFFFCE00;
	s0 =	simm.s32 @!p1 $0x8  }
0xdd: {  	_ =	swait.ge @!p1 [sflag:s0], $0x3200  }
0xde: {  	[sflag:s0] =	ssyncset.done @!p1 $0x0  }
0xdf: {  	s1 =	simm.s32 $0x80;
	[sflag:s0] =	ssyncadd.s32 @!p1 $0xFFFFCE00  }
0xe0: {  	v0 =	vld [tilespmem:s1+$0x70]  }
0xe1: {  	v1 =	vld [tilespmem:s1+$0xFFFFFF90]  }
0xe2: {  	v2 =	vld [tilespmem:s1+$0xFFFFFFA0]  }
0xe3: {  	v3 =	vld [tilespmem:s1+$0xFFFFFFB0]  }
0xe4: {  	v4 =	vld [tilespmem:s1+$0xFFFFFFC0]  }
0xe5: {  	v5 =	vld [tilespmem:s1+$0xFFFFFFD0]  }
0xe6: {  	v7 =	vld [tilespmem:s1+$0xFFFFFFE0]  }
0xe7: {  	v8 =	vld [tilespmem:s1+$0xFFFFFFF0]  }
0xe8: {  	v9 =	vld [tilespmem:s1+$0x0]  }
0xe9: {  	v10 =	vld [tilespmem:s1+$0x10]  }
0xea: {  	v12 =	vld [tilespmem:s1+$0x20]  }
0xeb: {  	v13 =	vld [tilespmem:s1+$0x30];
	v6 =	vunpack.i.l.s16.s32 v0  }
0xec: {  	v15 =	vld [tilespmem:s1+$0x40];
	v14 =	vunpack.i.l.s16.s32 v1  }
0xed: {  	v17 =	vld [tilespmem:s1+$0x50];
	v16 =	vunpack.i.l.s16.s32 v2  }
0xee: {  	v21 =	vld [tilespmem:s1+$0xFFFFFF80];
	v18 =	vunpack.i.l.s16.s32 v3  }
0xef: {  	v19 =	vld [tilespmem:s1+$0x60];
	v20 =	vunpack.i.l.s16.s32 v4  }
0xf0: {  	v57 =	vunpack.i.l.s16.s32 v5;
	v11 =	vld.idx.msk [tilespmem:v6+s18+$0x0], $0xffff  }
0xf1: {  	v22 =	vunpack.i.l.s16.s32 v7;
	v23 =	vld.idx.msk [tilespmem:v14+s18+$0x0], $0xffff  }
0xf2: {  	v25 =	vunpack.i.l.s16.s32 v8;
	v24 =	vld.idx.msk [tilespmem:v16+s18+$0x0], $0xffff  }
0xf3: {  	v27 =	vunpack.i.l.s16.s32 v21;
	v26 =	vld.idx.msk [tilespmem:v18+s18+$0x0], $0xffff  }
0xf4: {  	v29 =	vunpack.i.l.s16.s32 v9;
	v28 =	vld.idx.msk [tilespmem:v20+s18+$0x0], $0xffff  }
0xf5: {  	s8 =	simm.s32 $0x14DF0;
	v31 =	vunpack.i.l.s16.s32 v10;
	v30 =	vld.idx.msk [tilespmem:v57+s18+$0x0], $0xffff  }
0xf6: {  	v33 =	vunpack.i.l.s16.s32 v13;
	v32 =	vld.idx.msk [tilespmem:v22+s18+$0x0], $0xffff;
	[tilespmem:s8+$0xF0] =	vst v11  }
0xf7: {  	v60 =	vunpack.i.l.s16.s32 v15;
	v59 =	vld.idx.msk [tilespmem:v25+s18+$0x0], $0xffff;
	[tilespmem:s8+$0xFFFFFF30] =	vst v23  }
0xf8: {  	v35 =	vunpack.i.l.s16.s32 v17;
	v34 =	vld.idx.msk [tilespmem:v27+s18+$0x0], $0xffff;
	[tilespmem:s8+$0xFFFFFF50] =	vst v24  }
0xf9: {  	v36 =	vunpack.i.l.s16.s32 v19;
	v61 =	vld.idx.msk [tilespmem:v29+s18+$0x0], $0xffff;
	[tilespmem:s8+$0xFFFFFF70] =	vst v26  }
0xfa: {  	v62 =	vld.idx.msk [tilespmem:v31+s18+$0x0], $0xffff;
	[tilespmem:s8+$0xFFFFFF90] =	vst v28  }
0xfb: {  	v37 =	vld.idx.msk [tilespmem:v33+s18+$0x0], $0xffff;
	[tilespmem:s8+$0xFFFFFFB0] =	vst v30  }
0xfc: {  	v40 =	vld.idx.msk [tilespmem:v60+s18+$0x0], $0xffff;
	[tilespmem:s8+$0xFFFFFFD0] =	vst v32  }
0xfd: {  	v41 =	vld.idx.msk [tilespmem:v35+s18+$0x0], $0xffff;
	[tilespmem:s8+$0xFFFFFFF0] =	vst v59  }
0xfe: {  	v42 =	vld.idx.msk [tilespmem:v36+s18+$0x0], $0xffff;
	[tilespmem:s8+$0xFFFFFF10] =	vst v34  }
0xff: {  	[tilespmem:s8+$0x10] =	vst v61;
	v6 =	vld.idx.msk [tilespmem:v6+s19+$0x0], $0xffff  }
0x100: {  	[tilespmem:s8+$0x30] =	vst v62;
	v27 =	vld.idx.msk [tilespmem:v27+s19+$0x0], $0xffff  }
0x101: {  	v0 =	vunpack.i.u.s16.s32 v0;
	[tilespmem:s8+$0x70] =	vst v37;
	v14 =	vld.idx.msk [tilespmem:v14+s19+$0x0], $0xffff  }
0x102: {  	[tilespmem:s8+$0x90] =	vst v40;
	v16 =	vld.idx.msk [tilespmem:v16+s19+$0x0], $0xffff  }
0x103: {  	[tilespmem:s8+$0xB0] =	vst v41;
	v43 =	vld.idx.msk [tilespmem:v20+s19+$0x0], $0xffff  }
0x104: {  	s9 =	simm.s32 $0x17FF0;
	[tilespmem:s8+$0xD0] =	vst v42;
	v11 =	vld.idx.msk [tilespmem:v57+s19+$0x0], $0xffff  }
0x105: {  	v44 =	vld.idx.msk [tilespmem:v22+s19+$0x0], $0xffff;
	[tilespmem:s9+$0xF0] =	vst v6  }
0x106: {  	[tilespmem:s9+$0xFFFFFF10] =	vst v27;
	v58 =	vld.idx.msk [tilespmem:v0+s18+$0x0], $0xffff  }
0x107: {  	v45 =	vld.idx.msk [tilespmem:v25+s19+$0x0], $0xffff;
	[tilespmem:s9+$0xFFFFFF30] =	vst v14  }
0x108: {  	v46 =	vld.idx.msk [tilespmem:v29+s19+$0x0], $0xffff;
	[tilespmem:s9+$0xFFFFFF50] =	vst v16  }
0x109: {  	s10 =	simm.s32 $0x1E0;
	v21 =	vunpack.i.u.s16.s32 v21;
	v47 =	vld.idx.msk [tilespmem:v33+s19+$0x0], $0xffff;
	[tilespmem:s9+$0xFFFFFF90] =	vst v43  }
0x10a: {  	s6 =	sor.u32 $0x70, s10;
	v48 =	vld.idx.msk [tilespmem:v60+s19+$0x0], $0xffff;
	v6 =	vunpack.i.l.s16.s32 v12;
	[tilespmem:s9+$0xFFFFFFB0] =	vst v11  }
0x10b: {  	v2 =	vunpack.i.u.s16.s32 v2;
	v49 =	vld.idx.msk [tilespmem:v35+s19+$0x0], $0xffff;
	[tilespmem:s6+$0x14D00] =	vst v58  }
0x10c: {  	[tilespmem:s9+$0xFFFFFFD0] =	vst v44;
	v0 =	vld.idx.msk [tilespmem:v0+s19+$0x0], $0xffff  }
0x10d: {  	v4 =	vunpack.i.u.s16.s32 v4;
	v50 =	vld.idx.msk [tilespmem:v36+s19+$0x0], $0xffff;
	[tilespmem:s9+$0xFFFFFFF0] =	vst v45  }
0x10e: {  	v5 =	vunpack.i.u.s16.s32 v5;
	[tilespmem:s9+$0x10] =	vst v46;
	v51 =	vld.idx.msk [tilespmem:v21+s18+$0x0], $0xffff  }
0x10f: {  	v9 =	vunpack.i.u.s16.s32 v9;
	[tilespmem:s9+$0x70] =	vst v47;
	v63 =	vld.idx.msk [tilespmem:v6+s18+$0x0], $0xffff  }
0x110: {  	[tilespmem:s9+$0x90] =	vst v48;
	v52 =	vld.idx.msk [tilespmem:v2+s18+$0x0], $0xffff  }
0x111: {  	[tilespmem:s6+$0x17F00] =	vst v0;
	v0 =	vld.idx.msk [tilespmem:v18+s19+$0x0], $0xffff  }
0x112: {  	v13 =	vunpack.i.u.s16.s32 v13;
	[tilespmem:s9+$0xB0] =	vst v49;
	v54 =	vld.idx.msk [tilespmem:v4+s18+$0x0], $0xffff  }
0x113: {  	v15 =	vunpack.i.u.s16.s32 v15;
	[tilespmem:s9+$0xD0] =	vst v50;
	v55 =	vld.idx.msk [tilespmem:v5+s18+$0x0], $0xffff  }
0x114: {  	v19 =	vunpack.i.u.s16.s32 v19;
	v57 =	vld.idx.msk [tilespmem:v9+s18+$0x0], $0xffff;
	[tilespmem:s8+$0x50] =	vst v63  }
0x115: {  	[tilespmem:s8+$0xFFFFFF20] =	vst v51;
	v6 =	vld.idx.msk [tilespmem:v6+s19+$0x0], $0xffff  }
0x116: {  	v1 =	vunpack.i.u.s16.s32 v1;
	[tilespmem:s9+$0xFFFFFF70] =	vst v0;
	v0 =	vld.idx.msk [tilespmem:v31+s19+$0x0], $0xffff  }
0x117: {  	v60 =	vld.idx.msk [tilespmem:v13+s18+$0x0], $0xffff;
	[tilespmem:s8+$0xFFFFFF60] =	vst v52  }
0x118: {  	v61 =	vld.idx.msk [tilespmem:v15+s18+$0x0], $0xffff;
	[tilespmem:s8+$0xFFFFFFA0] =	vst v54  }
0x119: {  	v62 =	vld.idx.msk [tilespmem:v19+s18+$0x0], $0xffff;
	[tilespmem:s8+$0xFFFFFFC0] =	vst v55  }
0x11a: {  	v20 =	vld.idx.msk [tilespmem:v21+s19+$0x0], $0xffff;
	[tilespmem:s9+$0x50] =	vst v6  }
0x11b: {  	s15 =	simm.s32 $0x160;
	v6 =	vunpack.i.u.s16.s32 v8;
	[tilespmem:s9+$0x30] =	vst v0;
	v0 =	vunpack.i.u.s16.s32 v7;
	v7 =	vld.idx.msk [tilespmem:v1+s18+$0x0], $0xffff  }
0x11c: {  	s30 =	sor.u32 $0x70, s15;
	[tilespmem:s8+$0x20] =	vst v57;
	v2 =	vld.idx.msk [tilespmem:v2+s19+$0x0], $0xffff  }
0x11d: {  	s14 =	simm.s32 $0x140;
	s23 =	simm.s32 $0x1C0;
	v3 =	vunpack.i.u.s16.s32 v3;
	[tilespmem:s30+$0x14D00] =	vst v60;
	v4 =	vld.idx.msk [tilespmem:v4+s19+$0x0], $0xffff  }
0x11e: {  	s29 =	sor.u32 $0x50, s14;
	s14 =	sor.u32 $0x50, s23;
	v10 =	vunpack.i.u.s16.s32 v10;
	[tilespmem:s8+$0xA0] =	vst v61;
	v5 =	vld.idx.msk [tilespmem:v5+s19+$0x0], $0xffff  }
0x11f: {  	[tilespmem:s14+$0x14D00] =	vst v62;
	v63 =	vld.idx.msk [tilespmem:v9+s19+$0x0], $0xffff  }
0x120: {  	v17 =	vunpack.i.u.s16.s32 v17;
	[tilespmem:s8+$0xFFFFFF40] =	vst v7;
	v7 =	vld.idx.msk [tilespmem:v6+s18+$0x0], $0xffff  }
0x121: {  	v12 =	vunpack.i.u.s16.s32 v12;
	[tilespmem:s9+$0xFFFFFF60] =	vst v2;
	v2 =	vld.idx.msk [tilespmem:v13+s19+$0x0], $0xffff  }
0x122: {  	[tilespmem:s9+$0xFFFFFF20] =	vst v20;
	v53 =	vld.idx.msk [tilespmem:v3+s18+$0x0], $0xffff  }
0x123: {  	[tilespmem:s9+$0xFFFFFFA0] =	vst v4;
	v58 =	vld.idx.msk [tilespmem:v10+s18+$0x0], $0xffff  }
0x124: {  	[tilespmem:s9+$0xFFFFFFC0] =	vst v5;
	v56 =	vld.idx.msk [tilespmem:v0+s18+$0x0], $0xffff  }
0x125: {  	[tilespmem:s8+$0x0] =	vst v7;
	v7 =	vld.idx.msk [tilespmem:v17+s18+$0x0], $0xffff  }
0x126: {  	s13 =	simm.s32 $0x120;
	[tilespmem:s9+$0x20] =	vst v63;
	v59 =	vld.idx.msk [tilespmem:v12+s18+$0x0], $0xffff  }
0x127: {  	s1 =	sor.u32 $0x30, s13;
	[tilespmem:s8+$0xFFFFFF80] =	vst v53;
	v1 =	vld.idx.msk [tilespmem:v1+s19+$0x0], $0xffff  }
0x128: {  	s22 =	simm.s32 $0x1A0;
	v3 =	vld.idx.msk [tilespmem:v3+s19+$0x0], $0xffff;
	[tilespmem:s1+$0x14D00] =	vst v58  }
0x129: {  	s31 =	sor.u32 $0x30, s22;
	[tilespmem:s8+$0xFFFFFFE0] =	vst v56;
	v6 =	vld.idx.msk [tilespmem:v6+s19+$0x0], $0xffff  }
0x12a: {  	[tilespmem:s31+$0x14D00] =	vst v7;
	v7 =	vld.idx.msk [tilespmem:v0+s19+$0x0], $0xffff  }
0x12b: {  	[tilespmem:s29+$0x14D00] =	vst v59;
	v0 =	vld.idx.msk [tilespmem:v10+s19+$0x0], $0xffff  }
0x12c: {  	[tilespmem:s9+$0xFFFFFF40] =	vst v1;
	v1 =	vld.idx.msk [tilespmem:v12+s19+$0x0], $0xffff  }
0x12d: {  	v5 =	vld.idx.msk [tilespmem:v19+s19+$0x0], $0xffff;
	[tilespmem:s9+$0xFFFFFF80] =	vst v3  }
0x12e: {  	v3 =	vld.idx.msk [tilespmem:v15+s19+$0x0], $0xffff;
	[tilespmem:s9+$0x0] =	vst v6  }
0x12f: {  	s7 =	sor.u32 $0x2, s7;
	s13 =	simm.s32 $0x180;
	s6 =	simm.s32 $0x0;
	v4 =	vld.idx.msk [tilespmem:v17+s19+$0x0], $0xffff;
	[tilespmem:s9+$0xFFFFFFE0] =	vst v7  }
.LBB2_5:
0x130: {  	v13 =	vld [tilespmem:s13+$0x70];
	s6 =	sadd.s32 $0x100, s6;
	[tilespmem:s1+$0x17F00] =	vst v0  }
0x131: {  	v6 =	vld [tilespmem:s13+$0xFFFFFF90];
	p1 =	slt.u32 s6, $0x1800;
	[tilespmem:s29+$0x17F00] =	vst v1  }
0x132: {  	v7 =	vld [tilespmem:s13+$0xFFFFFFA0];
	[tilespmem:s30+$0x17F00] =	vst v2  }
0x133: {  	v8 =	vld [tilespmem:s13+$0xFFFFFFB0];
	[tilespmem:s9+$0xA0] =	vst v3  }
0x134: {  	v9 =	vld [tilespmem:s13+$0xFFFFFFC0];
	[tilespmem:s31+$0x17F00] =	vst v4  }
0x135: {  	v10 =	vld [tilespmem:s13+$0xFFFFFFD0];
	v11 =	vunpack.i.l.s16.s32 v13;
	[tilespmem:s14+$0x17F00] =	vst v5  }
0x136: {  	v0 =	vunpack.i.u.s16.s32 v6;
	v15 =	vunpack.i.l.s16.s32 v6;
	v6 =	vld [tilespmem:s13+$0xFFFFFFE0]  }
0x137: {  	v1 =	vunpack.i.u.s16.s32 v7;
	v16 =	vunpack.i.l.s16.s32 v7;
	v7 =	vld [tilespmem:s13+$0xFFFFFFF0]  }
0x138: {  	v2 =	vunpack.i.u.s16.s32 v8;
	v17 =	vunpack.i.l.s16.s32 v8;
	v8 =	vld [tilespmem:s13+$0x0]  }
0x139: {  	v3 =	vunpack.i.u.s16.s32 v9;
	v18 =	vunpack.i.l.s16.s32 v9;
	v9 =	vld [tilespmem:s13+$0x10]  }
0x13a: {  	v4 =	vunpack.i.u.s16.s32 v10;
	v19 =	vunpack.i.l.s16.s32 v10;
	v10 =	vld.idx.msk [tilespmem:v11+s18+$0x0], $0xffff  }
0x13b: {  	v5 =	vunpack.i.u.s16.s32 v6;
	v20 =	vunpack.i.l.s16.s32 v6;
	v12 =	vld [tilespmem:s13+$0x20]  }
0x13c: {  	v6 =	vunpack.i.u.s16.s32 v7;
	v21 =	vunpack.i.l.s16.s32 v7;
	v14 =	vld [tilespmem:s13+$0x30]  }
0x13d: {  	v7 =	vunpack.i.u.s16.s32 v8;
	v22 =	vunpack.i.l.s16.s32 v8;
	v23 =	vld [tilespmem:s13+$0x40]  }
0x13e: {  	v8 =	vunpack.i.u.s16.s32 v9;
	v24 =	vunpack.i.l.s16.s32 v9;
	v25 =	vld [tilespmem:s13+$0x50]  }
0x13f: {  	s8 =	sadd.s32 $0x200, s8;
	v26 =	vld [tilespmem:s13+$0x60]  }
0x140: {  	v27 =	vld [tilespmem:s13+$0xFFFFFF80];
	v9 =	vunpack.i.u.s16.s32 v12;
	v28 =	vunpack.i.l.s16.s32 v12;
	[tilespmem:s8+$0xF0] =	vst v10  }
0x141: {  	v10 =	vunpack.i.u.s16.s32 v14;
	v29 =	vunpack.i.l.s16.s32 v14;
	v30 =	vld.idx.msk [tilespmem:v11+s19+$0x0], $0xffff  }
0x142: {  	v31 =	vld.idx.msk [tilespmem:v15+s18+$0x0], $0xffff;
	v11 =	vunpack.i.u.s16.s32 v23;
	v23 =	vunpack.i.l.s16.s32 v23  }
0x143: {  	v33 =	vunpack.i.u.s16.s32 v13;
	v32 =	vld.idx.msk [tilespmem:v16+s18+$0x0], $0xffff;
	v12 =	vunpack.i.u.s16.s32 v25;
	v25 =	vunpack.i.l.s16.s32 v25  }
0x144: {  	v34 =	vld.idx.msk [tilespmem:v17+s18+$0x0], $0xffff;
	v13 =	vunpack.i.u.s16.s32 v26;
	v26 =	vunpack.i.l.s16.s32 v26  }
0x145: {  	v14 =	vunpack.i.u.s16.s32 v27;
	v27 =	vunpack.i.l.s16.s32 v27;
	v35 =	vld.idx.msk [tilespmem:v18+s18+$0x0], $0xffff  }
0x146: {  	s9 =	sadd.s32 $0x200, s9;
	v36 =	vld.idx.msk [tilespmem:v19+s18+$0x0], $0xffff  }
0x147: {  	v37 =	vld.idx.msk [tilespmem:v20+s18+$0x0], $0xffff;
	[tilespmem:s9+$0xF0] =	vst v30  }
0x148: {  	[tilespmem:s8+$0xFFFFFF30] =	vst v31;
	v30 =	vld.idx.msk [tilespmem:v33+s18+$0x0], $0xffff  }
0x149: {  	[tilespmem:s8+$0xFFFFFF50] =	vst v32;
	v31 =	vld.idx.msk [tilespmem:v21+s18+$0x0], $0xffff  }
0x14a: {  	v32 =	vld.idx.msk [tilespmem:v27+s18+$0x0], $0xffff;
	[tilespmem:s8+$0xFFFFFF70] =	vst v34  }
0x14b: {  	[tilespmem:s8+$0xFFFFFF90] =	vst v35;
	v34 =	vld.idx.msk [tilespmem:v22+s18+$0x0], $0xffff  }
0x14c: {  	s10 =	sadd.s32 $0x200, s10;
	[tilespmem:s8+$0xFFFFFFB0] =	vst v36;
	v35 =	vld.idx.msk [tilespmem:v24+s18+$0x0], $0xffff  }
0x14d: {  	s0 =	sadd.s32 $0xFFFFFF40, s10;
	s15 =	sor.u32 $0x70, s10;
	s14 =	sadd.s32 $0xFFFFFF60, s10;
	[tilespmem:s8+$0xFFFFFFD0] =	vst v37;
	v36 =	vld.idx.msk [tilespmem:v28+s18+$0x0], $0xffff  }
0x14e: {  	s22 =	sadd.s32 $0xFFFFFF80, s10;
	s23 =	sadd.s32 $0xFFFFFFE0, s10;
	s31 =	sadd.s32 $0xFFFFFFC0, s10;
	v37 =	vld.idx.msk [tilespmem:v29+s18+$0x0], $0xffff;
	[tilespmem:s15+$0x14D00] =	vst v30  }
0x14f: {  	s1 =	sor.u32 $0x30, s0;
	s30 =	sor.u32 $0x70, s22;
	s29 =	sor.u32 $0x50, s14;
	[tilespmem:s8+$0xFFFFFFF0] =	vst v31;
	v30 =	vld.idx.msk [tilespmem:v33+s19+$0x0], $0xffff  }
0x150: {  	s31 =	sor.u32 $0x30, s31;
	s14 =	sor.u32 $0x50, s23;
	[tilespmem:s8+$0xFFFFFF10] =	vst v32;
	v31 =	vld.idx.msk [tilespmem:v23+s18+$0x0], $0xffff  }
0x151: {  	[tilespmem:s8+$0x10] =	vst v34;
	v32 =	vld.idx.msk [tilespmem:v25+s18+$0x0], $0xffff  }
0x152: {  	[tilespmem:s8+$0x30] =	vst v35;
	v33 =	vld.idx.msk [tilespmem:v26+s18+$0x0], $0xffff  }
0x153: {  	v27 =	vld.idx.msk [tilespmem:v27+s19+$0x0], $0xffff;
	[tilespmem:s8+$0x50] =	vst v36  }
0x154: {  	v15 =	vld.idx.msk [tilespmem:v15+s19+$0x0], $0xffff;
	[tilespmem:s8+$0x70] =	vst v37  }
0x155: {  	v16 =	vld.idx.msk [tilespmem:v16+s19+$0x0], $0xffff;
	[tilespmem:s15+$0x17F00] =	vst v30  }
0x156: {  	v17 =	vld.idx.msk [tilespmem:v17+s19+$0x0], $0xffff;
	[tilespmem:s8+$0x90] =	vst v31  }
0x157: {  	v18 =	vld.idx.msk [tilespmem:v18+s19+$0x0], $0xffff;
	[tilespmem:s8+$0xB0] =	vst v32  }
0x158: {  	v19 =	vld.idx.msk [tilespmem:v19+s19+$0x0], $0xffff;
	[tilespmem:s8+$0xD0] =	vst v33  }
0x159: {  	[tilespmem:s9+$0xFFFFFF10] =	vst v27;
	v20 =	vld.idx.msk [tilespmem:v20+s19+$0x0], $0xffff  }
0x15a: {  	[tilespmem:s9+$0xFFFFFF30] =	vst v15;
	v15 =	vld.idx.msk [tilespmem:v21+s19+$0x0], $0xffff  }
0x15b: {  	[tilespmem:s9+$0xFFFFFF50] =	vst v16;
	v16 =	vld.idx.msk [tilespmem:v22+s19+$0x0], $0xffff  }
0x15c: {  	[tilespmem:s9+$0xFFFFFF70] =	vst v17;
	v17 =	vld.idx.msk [tilespmem:v24+s19+$0x0], $0xffff  }
0x15d: {  	[tilespmem:s9+$0xFFFFFF90] =	vst v18;
	v18 =	vld.idx.msk [tilespmem:v28+s19+$0x0], $0xffff  }
0x15e: {  	[tilespmem:s9+$0xFFFFFFB0] =	vst v19;
	v19 =	vld.idx.msk [tilespmem:v29+s19+$0x0], $0xffff  }
0x15f: {  	[tilespmem:s9+$0xFFFFFFD0] =	vst v20;
	v20 =	vld.idx.msk [tilespmem:v23+s19+$0x0], $0xffff  }
0x160: {  	[tilespmem:s9+$0xFFFFFFF0] =	vst v15;
	v15 =	vld.idx.msk [tilespmem:v25+s19+$0x0], $0xffff  }
0x161: {  	[tilespmem:s9+$0x10] =	vst v16;
	v16 =	vld.idx.msk [tilespmem:v26+s19+$0x0], $0xffff  }
0x162: {  	v21 =	vld.idx.msk [tilespmem:v14+s18+$0x0], $0xffff;
	[tilespmem:s9+$0x30] =	vst v17  }
0x163: {  	v17 =	vld.idx.msk [tilespmem:v0+s18+$0x0], $0xffff;
	[tilespmem:s9+$0x50] =	vst v18  }
0x164: {  	v18 =	vld.idx.msk [tilespmem:v1+s18+$0x0], $0xffff;
	[tilespmem:s9+$0x70] =	vst v19  }
0x165: {  	v19 =	vld.idx.msk [tilespmem:v2+s18+$0x0], $0xffff;
	[tilespmem:s9+$0x90] =	vst v20  }
0x166: {  	v20 =	vld.idx.msk [tilespmem:v3+s18+$0x0], $0xffff;
	[tilespmem:s9+$0xB0] =	vst v15  }
0x167: {  	v15 =	vld.idx.msk [tilespmem:v4+s18+$0x0], $0xffff;
	[tilespmem:s9+$0xD0] =	vst v16  }
0x168: {  	[tilespmem:s8+$0xFFFFFF20] =	vst v21;
	v16 =	vld.idx.msk [tilespmem:v5+s18+$0x0], $0xffff  }
0x169: {  	[tilespmem:s8+$0xFFFFFF40] =	vst v17;
	v17 =	vld.idx.msk [tilespmem:v6+s18+$0x0], $0xffff  }
0x16a: {  	[tilespmem:s8+$0xFFFFFF60] =	vst v18;
	v18 =	vld.idx.msk [tilespmem:v7+s18+$0x0], $0xffff  }
0x16b: {  	[tilespmem:s8+$0xFFFFFF80] =	vst v19;
	v19 =	vld.idx.msk [tilespmem:v8+s18+$0x0], $0xffff  }
0x16c: {  	[tilespmem:s8+$0xFFFFFFA0] =	vst v20;
	v20 =	vld.idx.msk [tilespmem:v9+s18+$0x0], $0xffff  }
0x16d: {  	[tilespmem:s8+$0xFFFFFFC0] =	vst v15;
	v15 =	vld.idx.msk [tilespmem:v10+s18+$0x0], $0xffff  }
0x16e: {  	[tilespmem:s8+$0xFFFFFFE0] =	vst v16;
	v16 =	vld.idx.msk [tilespmem:v11+s18+$0x0], $0xffff  }
0x16f: {  	[tilespmem:s8+$0x0] =	vst v17;
	v17 =	vld.idx.msk [tilespmem:v12+s18+$0x0], $0xffff  }
0x170: {  	[tilespmem:s8+$0x20] =	vst v18;
	v18 =	vld.idx.msk [tilespmem:v13+s18+$0x0], $0xffff  }
0x171: {  	v14 =	vld.idx.msk [tilespmem:v14+s19+$0x0], $0xffff;
	[tilespmem:s1+$0x14D00] =	vst v19  }
0x172: {  	v0 =	vld.idx.msk [tilespmem:v0+s19+$0x0], $0xffff;
	[tilespmem:s29+$0x14D00] =	vst v20  }
0x173: {  	v1 =	vld.idx.msk [tilespmem:v1+s19+$0x0], $0xffff;
	[tilespmem:s30+$0x14D00] =	vst v15  }
0x174: {  	v2 =	vld.idx.msk [tilespmem:v2+s19+$0x0], $0xffff;
	[tilespmem:s8+$0xA0] =	vst v16  }
0x175: {  	v3 =	vld.idx.msk [tilespmem:v3+s19+$0x0], $0xffff;
	[tilespmem:s31+$0x14D00] =	vst v17  }
0x176: {  	v4 =	vld.idx.msk [tilespmem:v4+s19+$0x0], $0xffff;
	[tilespmem:s14+$0x14D00] =	vst v18  }
0x177: {  	[tilespmem:s9+$0xFFFFFF20] =	vst v14;
	v5 =	vld.idx.msk [tilespmem:v5+s19+$0x0], $0xffff  }
0x178: {  	[tilespmem:s9+$0xFFFFFF40] =	vst v0;
	v6 =	vld.idx.msk [tilespmem:v6+s19+$0x0], $0xffff  }
0x179: {  	[tilespmem:s9+$0xFFFFFF60] =	vst v1;
	v7 =	vld.idx.msk [tilespmem:v7+s19+$0x0], $0xffff  }
0x17a: {  	[tilespmem:s9+$0xFFFFFF80] =	vst v2;
	v0 =	vld.idx.msk [tilespmem:v8+s19+$0x0], $0xffff  }
.Ltmp1:
0x17b: {  	[tilespmem:s9+$0xFFFFFFA0] =	vst v3;
	v1 =	vld.idx.msk [tilespmem:v9+s19+$0x0], $0xffff;
	(pc) =	sbr.rel @p1 .LBB2_5-.Ltmp1, $4  }
0x17c: {  	[tilespmem:s9+$0xFFFFFFC0] =	vst v4;
	v2 =	vld.idx.msk [tilespmem:v10+s19+$0x0], $0xffff  }
0x17d: {  	[tilespmem:s9+$0xFFFFFFE0] =	vst v5;
	v3 =	vld.idx.msk [tilespmem:v11+s19+$0x0], $0xffff  }
0x17e: {  	[tilespmem:s9+$0x0] =	vst v6;
	v4 =	vld.idx.msk [tilespmem:v12+s19+$0x0], $0xffff  }
0x17f: {  	s13 =	sadd.s32 $0x100, s13;
	[tilespmem:s9+$0x20] =	vst v7;
	v5 =	vld.idx.msk [tilespmem:v13+s19+$0x0], $0xffff  }
0x180: {  	[tilespmem:s1+$0x17F00] =	vst v0  }
0x181: {  	[tilespmem:s29+$0x17F00] =	vst v1  }
0x182: {  	[tilespmem:s30+$0x17F00] =	vst v2  }
0x183: {  	[tilespmem:s9+$0xA0] =	vst v3  }
0x184: {  	s0 =	sshll.u32 @!p0 s7, $0x4;
	s6 =	simm.s32 @!p0 $0x80;
	s8 =	simm.s32 @!p0 $0x80000;
	[tilespmem:s31+$0x17F00] =	vst v4  }
0x185: {  	s2 =	sadd.s32 $0x1, s2;
	s1 =	sadd.s32 @!p0 s11, s0;
	s9 =	simm.s32 @!p0 $0x8100;
	[tilespmem:s14+$0x17F00] =	vst v5  }
0x186: {  	[tilespmem:s9], [sflag:$0x3] =	stream.strided.gather @!p0 [hbm4b:s1+s6], $0x3200, s8, s6, $0x38;
	[tilespmem:$0x1B100] =	vst v63  }
0x187: {  	s0 =	sadd.s32 @!p0 s12, s0;
	s30 =	smul.u32 $0x3200, s7;
	s1 =	simm.s32 @!p0 $0xB500  }
0x188: {  	[tilespmem:s1], [sflag:$0x4] =	stream.strided.gather @!p0 [hbm4b:s0+s6], $0x3200, s8, s6, $0x38;
	[tilespmem:$0x1B100] =	vst v63  }
0x189: {  	s23 =	smul.u32 $0x640, s7;
	p0 =	sne.s32 s2, $0x20  }
.Ltmp2:
0x18a: {  	s31 =	sshrl.u32 s30, $0x3;
	(pc) =	sbr.rel @p0 .LBB2_2-.Ltmp2, $4  }
0x18b: {  	s29 =	sadd.s32 s3, s23;
	s0 =	sadd.s32 s3, s31  }
0x18c: {  	[hbm4b:s29+s4] =	stream.linear.scatter [tilespmem:s26], [sflag:$0x7], $0x3200, $0x38;
	[tilespmem:$0x1B100] =	vst v63  }
0x18d: {  	s0 =	sadd.s32 $0x640, s0  }
0x18e: {  	[hbm4b:s0+s4] =	stream.linear.scatter [tilespmem:s28], [sflag:$0x8], $0x3200, $0x38;
	[tilespmem:$0x1B100] =	vst v63  }
0x18f: {  	s0 =	simm.s32 $0x5  }
0x190: {  	_ =	swait.ge [sflag:s0], $0x3200  }
0x191: {  	[sflag:s0] =	ssyncset.done $0x0  }
0x192: {  	s29 =	simm.s32 $0x6;
	[sflag:s0] =	ssyncadd.s32 $0xFFFFCE00  }
0x193: {  	_ =	swait.ge [sflag:s29], $0x3200  }
0x194: {  	[sflag:s29] =	ssyncset.done $0x0  }
0x195: {  	s30 =	simm.s32 $0x7;
	[sflag:s29] =	ssyncadd.s32 $0xFFFFCE00  }
0x196: {  	_ =	swait.ge [sflag:s30], $0x3200  }
0x197: {  	[sflag:s30] =	ssyncset.done $0x0  }
0x198: {  	s1 =	simm.s32 $0x8;
	[sflag:s30] =	ssyncadd.s32 $0xFFFFCE00  }
0x199: {  	_ =	swait.ge [sflag:s1], $0x3200  }
0x19a: {  	s2 =	rddreg [dreg:$0x9]  }
0x19b: {  	s31 =	rddreg [dreg:$0x8];
	s2 =	sadd.s32 $0x1, s2  }
0x19c: {  	p0 =	sne.s32 s2, s31  }
.Ltmp3:
0x19d: {  	_ = 	snop;
	(pc) =	sbr.rel @p0 .LBB2_1-.Ltmp3, $3  }
0x19e: {  	_ =	sdelay $0x1  }
0x19f: {  	[sflag:s1] =	ssyncset.done $0x0  }
0x1a0: {  	[sflag:s1] =	ssyncadd.s32 $0xFFFFCE00  }
0x1a1: {  	_ =	sfence.sel $0x180000  }
0x1a2: {  	[bflag:$0x0] =	sbarrier.arrive $0xFFFF  }
0x1a3: {  	_ =	strace $0x90000047  }
0x1a4: {  	s0 =	stileid.u32;
	[bflag:$0x2] =	sbarrier.arrive $0xFFFF  }
0x1a5: {  	p0 =	sne.s32 s0, $0x0;
	s0 =	rddreg [dreg:$0x3]  }
0x1a6: {  	s0 =	sadd.s32 @!p0 $0x100000, s0  }
0x1a7: {  	[sflag:s0] =	ssyncadd.tile.s32 @!p0 $0x1;
	_ =	shalt  }
.Lfunc_end2:
_tile_overlayer_lowered:
.L_overlay_start_2:
0x1a8: {  	(tag) =	ssettag $0x2  }
0x1a9: {  	s0 =	rddreg [dreg:$0x0];
	s2 =	stileid.u32  }
0x1aa: {  	s1 =	rddreg [dreg:$0x1];
	p0 =	sne.s32 s2, $0x0  }
0x1ab: {  	s3 =	rddreg [dreg:$0x2];
	[bflag:$0x3] =	sbarrier.arrive $0xFFFF;
	s2 =	simm.s32 @!p0 $0x1C09  }
0x1ac: {  	[timem:s3], [sflag:s2] =	dma.local @!p0 [hbm:s0], s1  }
0x1ad: {  	s0 =	simm.s32 @!p0 $0x9  }
0x1ae: {  	_ =	swait.ge @!p0 [sflag:s0], s1  }
0x1af: {  	s1 =	ssub.s32 @!p0 $0x0, s1;
	[sflag:s0] =	ssyncset.done @!p0 $0x0  }
0x1b0: {  	[sflag:s0] =	ssyncadd.s32 @!p0 s1  }
0x1b1: {  	[bflag:$0x3] =	sbarrier.arrive $0xFFFF  }
0x1b2: {  	_ =	shalt  }

</sc_bundles>
